<compile_context>
chip_gen: v7x
topology: tpu7x:2x2x1
jax: 0.10.2.dev20260603
libtpu: 0.0.44.dev20260713+nightly
codegen_flags: <defaults>
</compile_context>

<pallas_src>
import functools

import jax
import jax.numpy as jnp
from jax import lax
from jax.experimental import pallas as pl
from jax.experimental.pallas import tpu as pltpu
from jax.experimental.pallas import tpu_sc as plsc

T = 8192
D = 2048
E = 64
NC = 2
NS = 16
L = 16
NW = NC * NS
CHUNKS = 2
TPC = T // CHUNKS
RPW = TPC // NW
G = RPW // L
TB = 1024
BLK = TB // RPW


def _logits_body(w_ref, x_ref, out_ref):
    res = lax.dot_general(
        w_ref[...], x_ref[...],
        dimension_numbers=(((1,), (1,)), ((), ())),
        preferred_element_type=jnp.float32,
    )
    for b in range(BLK):
        out_ref[b] = res[:, b * RPW:(b + 1) * RPW]


def _compute_logits(x, W, chunk):
    nsteps = TPC // TB
    base = chunk * nsteps
    return pl.pallas_call(
        _logits_body,
        grid=(nsteps,),
        in_specs=[
            pl.BlockSpec((E, D), lambda i: (0, 0)),
            pl.BlockSpec((TB, D), lambda i, _b=base: (_b + i, 0)),
        ],
        out_specs=pl.BlockSpec((BLK, E, RPW), lambda i: (i, 0, 0)),
        out_shape=jax.ShapeDtypeStruct((NW, E, RPW), jnp.float32),
    )(W, x)


_mesh = plsc.VectorSubcoreMesh(core_axis_name="c", subcore_axis_name="s")


@functools.partial(
    pl.kernel,
    mesh=_mesh,
    out_type=[
        jax.ShapeDtypeStruct((2, TPC), jnp.int32),
        jax.ShapeDtypeStruct((2, TPC), jnp.float32),
    ],
    scratch_types=[
        pltpu.VMEM((E, RPW), jnp.float32),
        pltpu.VMEM((RPW,), jnp.int32),
        pltpu.VMEM((RPW,), jnp.int32),
        pltpu.VMEM((RPW,), jnp.float32),
        pltpu.VMEM((RPW,), jnp.float32),
    ],
)
def _route(logits_hbm, idx_hbm, w_hbm, buf, i1_v, i2_v, w1_v, w2_v):
    wid = lax.axis_index("s") * NC + lax.axis_index("c")
    pltpu.sync_copy(logits_hbm.at[wid], buf)
    for g in range(G):
        neg = jnp.full((L,), -3.0e38, jnp.float32)
        zero = jnp.zeros((L,), jnp.int32)

        def step(e, carry, _g=g):
            v1, i1, v2, i2 = carry
            c = buf[e, pl.ds(_g * L, L)]
            ei = jnp.full((L,), 0, jnp.int32) + e
            t2 = c > v2
            mv2 = jnp.where(t2, c, v2)
            mi2 = jnp.where(t2, ei, i2)
            t1 = c > v1
            nv2 = jnp.where(t1, v1, mv2)
            ni2 = jnp.where(t1, i1, mi2)
            nv1 = jnp.where(t1, c, v1)
            ni1 = jnp.where(t1, ei, i1)
            return nv1, ni1, nv2, ni2

        v1, i1, v2, i2 = lax.fori_loop(0, E, step, (neg, zero, neg, zero))
        ed = jnp.exp(v2 - v1)
        denom = 1.0 + ed
        sl = pl.ds(g * L, L)
        i1_v[sl] = i1
        i2_v[sl] = i2
        w1_v[sl] = 1.0 / denom
        w2_v[sl] = ed / denom
    base = wid * RPW
    pltpu.sync_copy(i1_v, idx_hbm.at[0, pl.ds(base, RPW)])
    pltpu.sync_copy(i2_v, idx_hbm.at[1, pl.ds(base, RPW)])
    pltpu.sync_copy(w1_v, w_hbm.at[0, pl.ds(base, RPW)])
    pltpu.sync_copy(w2_v, w_hbm.at[1, pl.ds(base, RPW)])


def kernel(x, W, top_k):
    idx_parts, w_parts = [], []
    for c in range(CHUNKS):
        logits = _compute_logits(x, W, c)
        idx_pl, w_pl = _route(logits)
        idx_parts.append(idx_pl)
        w_parts.append(w_pl)
    idx_pl = jnp.concatenate(idx_parts, axis=1)
    w_pl = jnp.concatenate(w_parts, axis=1)
    topk_idx = jnp.stack([idx_pl[0], idx_pl[1]], axis=-1).astype(jnp.int64)
    topk_w = jnp.stack([w_pl[0], w_pl[1]], axis=-1)
    return topk_idx, topk_w

# --- scband reference (transcript-rebuilt; emitter-appended) ---
"""Pipeline reference for scband-top-krouter-2877628088575 (READ-ONLY COPY).

The authoritative reference and input builder live on the scoring server;
editing this copy changes nothing except your own understanding.
"""

import jax, jax.numpy as jnp
import numpy as np

T = 8192
D_MODEL = 2048
NUM_EXPERTS = 64
TOP_K = 2

def setup_inputs(seed: int = 0) -> dict:
    key = jax.random.key(seed)
    k_x, k_w = jax.random.split(key, 2)
    x = jax.random.normal(k_x, (T, D_MODEL), dtype=jnp.float32)
    # nn.Linear(d_model, num_experts, bias=False): weight shape (num_experts, d_model)
    bound = 1.0 / np.sqrt(D_MODEL)
    W = jax.random.uniform(k_w, (NUM_EXPERTS, D_MODEL), dtype=jnp.float32, minval=-bound, maxval=bound)
    return {"x": x, "W": W, "top_k": TOP_K}

def reference(x, W, top_k):
    k = min(TOP_K, NUM_EXPERTS)
    # fp32=True: logits computed in float32 (x already float32)
    logits = jnp.dot(x.astype(jnp.float32), W.T)
    logits = logits + (jnp.asarray(top_k) * 0).astype(logits.dtype)
    # jitter_noise == 0.0 -> no noise added
    topk_val, topk_idx = jax.lax.top_k(logits, k)
    topk_w = jax.nn.softmax(topk_val, axis=-1).astype(x.dtype)
    return (topk_idx.astype(jnp.int64), topk_w)

if __name__ == "__main__":
    import jax
    _d = setup_inputs()
    print(jax.jit(kernel)(*tuple(_d.values())))

</pallas_src>

<mosaic_0001>
#map = affine_map<(d0, d1) -> (0, 0, 0)>
#map1 = affine_map<(d0, d1) -> (0, 0)>
module attributes {stable_mosaic.version = 14 : i64} {
  func.func @_route(%arg0: i32, %arg1: i32, %arg2: memref<32x64x128xf32, #tpu.memory_space<hbm>>, %arg3: memref<2x4096xi32, #tpu.memory_space<hbm>>, %arg4: memref<2x4096xf32, #tpu.memory_space<hbm>>, %arg5: memref<64x128xf32, #tpu.memory_space<vmem>>, %arg6: memref<128xi32, #tpu.memory_space<vmem>>, %arg7: memref<128xi32, #tpu.memory_space<vmem>>, %arg8: memref<128xf32, #tpu.memory_space<vmem>>, %arg9: memref<128xf32, #tpu.memory_space<vmem>>) attributes {dimension_semantics = [#tpu.dimension_semantics<core_parallel>, #tpu.dimension_semantics<subcore_parallel>], iteration_bounds = array<i64: 2, 16>, scalar_prefetch = 0 : i64, scratch_operands = 5 : i64, tpu.core_type = #tpu.core_type<sc_vector_subcore>, window_params = [{transform_indices = #map}, {transform_indices = #map1}, {transform_indices = #map1}]} {
    %mul3A = arith.constant 2 : i32
    %mul3A_0 = arith.muli %arg1, %mul3A : i32
    %add3A = arith.addi %mul3A_0, %arg0 : i32
    "tpu.region"() ({
      %run_scoped3A_280 = tpu.sem_alloc : memref<!tpu.dma_semaphore, #tpu.memory_space<semaphore_mem>>
      %dma_start3A = arith.constant 0 : i32
      %dma_start3A_281 = arith.constant 0 : i32
      %dma_start3A_282 = tpu.memref_slice %arg2[%add3A, %dma_start3A, %dma_start3A_281] : memref<32x64x128xf32, #tpu.memory_space<hbm>> -> memref<1x64x128xf32, #tpu.memory_space<hbm>>
      %dma_start3A_283 = tpu.memref_squeeze %dma_start3A_282 : memref<1x64x128xf32, #tpu.memory_space<hbm>> -> memref<64x128xf32, #tpu.memory_space<hbm>>
      %dma_start3A_284 = arith.constant 0 : i32
      %dma_start3A_285 = arith.constant 0 : i32
      %dma_start3A_286 = tpu.memref_slice %arg2[%add3A, %dma_start3A_284, %dma_start3A_285] : memref<32x64x128xf32, #tpu.memory_space<hbm>> -> memref<1x64x128xf32, #tpu.memory_space<hbm>>
      %dma_start3A_287 = tpu.memref_squeeze %dma_start3A_286 : memref<1x64x128xf32, #tpu.memory_space<hbm>> -> memref<64x128xf32, #tpu.memory_space<hbm>>
      tpu.enqueue_dma source(%dma_start3A_287 : memref<64x128xf32, #tpu.memory_space<hbm>>) target(%arg5 : memref<64x128xf32, #tpu.memory_space<vmem>>) target_semaphore(%run_scoped3A_280 : memref<!tpu.dma_semaphore, #tpu.memory_space<semaphore_mem>>)
      %dma_wait3A = arith.constant 0 : i32
      %dma_wait3A_288 = arith.constant 0 : i32
      %dma_wait3A_289 = tpu.memref_slice %arg2[%add3A, %dma_wait3A, %dma_wait3A_288] : memref<32x64x128xf32, #tpu.memory_space<hbm>> -> memref<1x64x128xf32, #tpu.memory_space<hbm>>
      %dma_wait3A_290 = tpu.memref_squeeze %dma_wait3A_289 : memref<1x64x128xf32, #tpu.memory_space<hbm>> -> memref<64x128xf32, #tpu.memory_space<hbm>>
      %dma_wait3A_291 = arith.constant 0 : i32
      %dma_wait3A_292 = arith.constant 0 : i32
      %dma_wait3A_293 = tpu.memref_slice %arg2[%add3A, %dma_wait3A_291, %dma_wait3A_292] : memref<32x64x128xf32, #tpu.memory_space<hbm>> -> memref<1x64x128xf32, #tpu.memory_space<hbm>>
      %dma_wait3A_294 = tpu.memref_squeeze %dma_wait3A_293 : memref<1x64x128xf32, #tpu.memory_space<hbm>> -> memref<64x128xf32, #tpu.memory_space<hbm>>
      tpu.wait_dma2 semaphore(%run_scoped3A_280 : memref<!tpu.dma_semaphore, #tpu.memory_space<semaphore_mem>>) src(%dma_wait3A_294 : memref<64x128xf32, #tpu.memory_space<hbm>>) dst(%arg5 : memref<64x128xf32, #tpu.memory_space<vmem>>)
      tpu.yield
    }) : () -> ()
    %broadcast_in_dim3A = arith.constant -3.000000e+38 : f32
    %broadcast_in_dim3A_1 = vector.broadcast %broadcast_in_dim3A : f32 to vector<16xf32>
    %broadcast_in_dim3A_2 = arith.constant 0 : i32
    %broadcast_in_dim3A_3 = vector.broadcast %broadcast_in_dim3A_2 : i32 to vector<16xi32>
    %scan3A = arith.constant 0 : i32
    %scan3A_4 = arith.constant 64 : i32
    %scan3A_5 = arith.addi %scan3A, %scan3A_4 : i32
    %scan3A_6 = arith.constant 1 : i32
    %scan3A_7:4 = scf.for %scan3A_280 = %scan3A to %scan3A_5 step %scan3A_6 iter_args(%scan3A_281 = %broadcast_in_dim3A_1, %scan3A_282 = %broadcast_in_dim3A_3, %scan3A_283 = %broadcast_in_dim3A_1, %scan3A_284 = %broadcast_in_dim3A_3) -> (vector<16xf32>, vector<16xi32>, vector<16xf32>, vector<16xi32>)  : i32 {
      %get3A = arith.index_cast %scan3A_280 : i32 to index
      %get3A_285 = arith.constant 0 : index
      %get3A_286 = tpu.vector_load %arg5[%get3A, %get3A_285] {strides = array<i32>} : memref<64x128xf32, #tpu.memory_space<vmem>>, vector<1x16xf32>,
      %get3A_287 = vector.shape_cast %get3A_286 : vector<1x16xf32> to vector<16xf32>
      %broadcast_in_dim3A_288 = arith.constant 0 : i32
      %broadcast_in_dim3A_289 = vector.broadcast %broadcast_in_dim3A_288 : i32 to vector<16xi32>
      %add3A_290 = vector.broadcast %scan3A_280 : i32 to vector<16xi32>
      %add3A_291 = arith.addi %broadcast_in_dim3A_289, %add3A_290 : vector<16xi32>
      %gt3A = arith.cmpf ogt, %get3A_287, %scan3A_283 : vector<16xf32>
      %select_n3A = arith.select %gt3A, %get3A_287, %scan3A_283 : vector<16xi1>, vector<16xf32>
      %select_n3A_292 = arith.select %gt3A, %add3A_291, %scan3A_284 : vector<16xi1>, vector<16xi32>
      %gt3A_293 = arith.cmpf ogt, %get3A_287, %scan3A_281 : vector<16xf32>
      %select_n3A_294 = arith.select %gt3A_293, %scan3A_281, %select_n3A : vector<16xi1>, vector<16xf32>
      %select_n3A_295 = arith.select %gt3A_293, %scan3A_282, %select_n3A_292 : vector<16xi1>, vector<16xi32>
      %select_n3A_296 = arith.select %gt3A_293, %get3A_287, %scan3A_281 : vector<16xi1>, vector<16xf32>
      %select_n3A_297 = arith.select %gt3A_293, %add3A_291, %scan3A_282 : vector<16xi1>, vector<16xi32>
      scf.yield %select_n3A_296, %select_n3A_297, %select_n3A_294, %select_n3A_295 : vector<16xf32>, vector<16xi32>, vector<16xf32>, vector<16xi32>
    }
    %scan3A_8 = arith.constant 64 : i32
    %sub3A = arith.subf %scan3A_7#2, %scan3A_7#0 : vector<16xf32>
    %exp3A = math.exp %sub3A : vector<16xf32>
    %add3A_9 = arith.constant 1.000000e+00 : f32
    %add3A_10 = vector.broadcast %add3A_9 : f32 to vector<16xf32>
    %add3A_11 = arith.addf %add3A_10, %exp3A : vector<16xf32>
    %swap3A = arith.constant 0 : index
    %swap3A_12 = tpu.vector_load %arg6[%swap3A] {strides = array<i32>} : memref<128xi32, #tpu.memory_space<vmem>>, vector<16xi32>,
    %swap3A_13 = vector.shape_cast %swap3A_12 : vector<16xi32> to vector<16xi32>
    %swap3A_14 = vector.shape_cast %scan3A_7#1 : vector<16xi32> to vector<16xi32>
    tpu.vector_store %arg6[%swap3A], %swap3A_14 {strides = array<i32>} : memref<128xi32, #tpu.memory_space<vmem>>, vector<16xi32>,
    %swap3A_15 = arith.constant 0 : index
    %swap3A_16 = tpu.vector_load %arg7[%swap3A_15] {strides = array<i32>} : memref<128xi32, #tpu.memory_space<vmem>>, vector<16xi32>,
    %swap3A_17 = vector.shape_cast %swap3A_16 : vector<16xi32> to vector<16xi32>
    %swap3A_18 = vector.shape_cast %scan3A_7#3 : vector<16xi32> to vector<16xi32>
    tpu.vector_store %arg7[%swap3A_15], %swap3A_18 {strides = array<i32>} : memref<128xi32, #tpu.memory_space<vmem>>, vector<16xi32>,
    %div3A = arith.constant 1.000000e+00 : f32
    %div3A_19 = vector.broadcast %div3A : f32 to vector<16xf32>
    %div3A_20 = arith.divf %div3A_19, %add3A_11 : vector<16xf32>
    %swap3A_21 = arith.constant 0 : index
    %swap3A_22 = tpu.vector_load %arg8[%swap3A_21] {strides = array<i32>} : memref<128xf32, #tpu.memory_space<vmem>>, vector<16xf32>,
    %swap3A_23 = vector.shape_cast %swap3A_22 : vector<16xf32> to vector<16xf32>
    %swap3A_24 = vector.shape_cast %div3A_20 : vector<16xf32> to vector<16xf32>
    tpu.vector_store %arg8[%swap3A_21], %swap3A_24 {strides = array<i32>} : memref<128xf32, #tpu.memory_space<vmem>>, vector<16xf32>,
    %div3A_25 = arith.divf %exp3A, %add3A_11 : vector<16xf32>
    %swap3A_26 = arith.constant 0 : index
    %swap3A_27 = tpu.vector_load %arg9[%swap3A_26] {strides = array<i32>} : memref<128xf32, #tpu.memory_space<vmem>>, vector<16xf32>,
    %swap3A_28 = vector.shape_cast %swap3A_27 : vector<16xf32> to vector<16xf32>
    %swap3A_29 = vector.shape_cast %div3A_25 : vector<16xf32> to vector<16xf32>
    tpu.vector_store %arg9[%swap3A_26], %swap3A_29 {strides = array<i32>} : memref<128xf32, #tpu.memory_space<vmem>>, vector<16xf32>,
    %broadcast_in_dim3A_30 = arith.constant -3.000000e+38 : f32
    %broadcast_in_dim3A_31 = vector.broadcast %broadcast_in_dim3A_30 : f32 to vector<16xf32>
    %broadcast_in_dim3A_32 = arith.constant 0 : i32
    %broadcast_in_dim3A_33 = vector.broadcast %broadcast_in_dim3A_32 : i32 to vector<16xi32>
    %scan3A_34 = arith.constant 0 : i32
    %scan3A_35 = arith.constant 64 : i32
    %scan3A_36 = arith.addi %scan3A_34, %scan3A_35 : i32
    %scan3A_37 = arith.constant 1 : i32
    %scan3A_38:4 = scf.for %scan3A_280 = %scan3A_34 to %scan3A_36 step %scan3A_37 iter_args(%scan3A_281 = %broadcast_in_dim3A_31, %scan3A_282 = %broadcast_in_dim3A_33, %scan3A_283 = %broadcast_in_dim3A_31, %scan3A_284 = %broadcast_in_dim3A_33) -> (vector<16xf32>, vector<16xi32>, vector<16xf32>, vector<16xi32>)  : i32 {
      %get3A = arith.index_cast %scan3A_280 : i32 to index
      %get3A_285 = arith.constant 16 : index
      %get3A_286 = tpu.vector_load %arg5[%get3A, %get3A_285] {strides = array<i32>} : memref<64x128xf32, #tpu.memory_space<vmem>>, vector<1x16xf32>,
      %get3A_287 = vector.shape_cast %get3A_286 : vector<1x16xf32> to vector<16xf32>
      %broadcast_in_dim3A_288 = arith.constant 0 : i32
      %broadcast_in_dim3A_289 = vector.broadcast %broadcast_in_dim3A_288 : i32 to vector<16xi32>
      %add3A_290 = vector.broadcast %scan3A_280 : i32 to vector<16xi32>
      %add3A_291 = arith.addi %broadcast_in_dim3A_289, %add3A_290 : vector<16xi32>
      %gt3A = arith.cmpf ogt, %get3A_287, %scan3A_283 : vector<16xf32>
      %select_n3A = arith.select %gt3A, %get3A_287, %scan3A_283 : vector<16xi1>, vector<16xf32>
      %select_n3A_292 = arith.select %gt3A, %add3A_291, %scan3A_284 : vector<16xi1>, vector<16xi32>
      %gt3A_293 = arith.cmpf ogt, %get3A_287, %scan3A_281 : vector<16xf32>
      %select_n3A_294 = arith.select %gt3A_293, %scan3A_281, %select_n3A : vector<16xi1>, vector<16xf32>
      %select_n3A_295 = arith.select %gt3A_293, %scan3A_282, %select_n3A_292 : vector<16xi1>, vector<16xi32>
      %select_n3A_296 = arith.select %gt3A_293, %get3A_287, %scan3A_281 : vector<16xi1>, vector<16xf32>
      %select_n3A_297 = arith.select %gt3A_293, %add3A_291, %scan3A_282 : vector<16xi1>, vector<16xi32>
      scf.yield %select_n3A_296, %select_n3A_297, %select_n3A_294, %select_n3A_295 : vector<16xf32>, vector<16xi32>, vector<16xf32>, vector<16xi32>
    }
    %scan3A_39 = arith.constant 64 : i32
    %sub3A_40 = arith.subf %scan3A_38#2, %scan3A_38#0 : vector<16xf32>
    %exp3A_41 = math.exp %sub3A_40 : vector<16xf32>
    %add3A_42 = arith.constant 1.000000e+00 : f32
    %add3A_43 = vector.broadcast %add3A_42 : f32 to vector<16xf32>
    %add3A_44 = arith.addf %add3A_43, %exp3A_41 : vector<16xf32>
    %swap3A_45 = arith.constant 16 : index
    %swap3A_46 = tpu.vector_load %arg6[%swap3A_45] {strides = array<i32>} : memref<128xi32, #tpu.memory_space<vmem>>, vector<16xi32>,
    %swap3A_47 = vector.shape_cast %swap3A_46 : vector<16xi32> to vector<16xi32>
    %swap3A_48 = vector.shape_cast %scan3A_38#1 : vector<16xi32> to vector<16xi32>
    tpu.vector_store %arg6[%swap3A_45], %swap3A_48 {strides = array<i32>} : memref<128xi32, #tpu.memory_space<vmem>>, vector<16xi32>,
    %swap3A_49 = arith.constant 16 : index
    %swap3A_50 = tpu.vector_load %arg7[%swap3A_49] {strides = array<i32>} : memref<128xi32, #tpu.memory_space<vmem>>, vector<16xi32>,
    %swap3A_51 = vector.shape_cast %swap3A_50 : vector<16xi32> to vector<16xi32>
    %swap3A_52 = vector.shape_cast %scan3A_38#3 : vector<16xi32> to vector<16xi32>
    tpu.vector_store %arg7[%swap3A_49], %swap3A_52 {strides = array<i32>} : memref<128xi32, #tpu.memory_space<vmem>>, vector<16xi32>,
    %div3A_53 = arith.constant 1.000000e+00 : f32
    %div3A_54 = vector.broadcast %div3A_53 : f32 to vector<16xf32>
    %div3A_55 = arith.divf %div3A_54, %add3A_44 : vector<16xf32>
    %swap3A_56 = arith.constant 16 : index
    %swap3A_57 = tpu.vector_load %arg8[%swap3A_56] {strides = array<i32>} : memref<128xf32, #tpu.memory_space<vmem>>, vector<16xf32>,
    %swap3A_58 = vector.shape_cast %swap3A_57 : vector<16xf32> to vector<16xf32>
    %swap3A_59 = vector.shape_cast %div3A_55 : vector<16xf32> to vector<16xf32>
    tpu.vector_store %arg8[%swap3A_56], %swap3A_59 {strides = array<i32>} : memref<128xf32, #tpu.memory_space<vmem>>, vector<16xf32>,
    %div3A_60 = arith.divf %exp3A_41, %add3A_44 : vector<16xf32>
    %swap3A_61 = arith.constant 16 : index
    %swap3A_62 = tpu.vector_load %arg9[%swap3A_61] {strides = array<i32>} : memref<128xf32, #tpu.memory_space<vmem>>, vector<16xf32>,
    %swap3A_63 = vector.shape_cast %swap3A_62 : vector<16xf32> to vector<16xf32>
    %swap3A_64 = vector.shape_cast %div3A_60 : vector<16xf32> to vector<16xf32>
    tpu.vector_store %arg9[%swap3A_61], %swap3A_64 {strides = array<i32>} : memref<128xf32, #tpu.memory_space<vmem>>, vector<16xf32>,
    %broadcast_in_dim3A_65 = arith.constant -3.000000e+38 : f32
    %broadcast_in_dim3A_66 = vector.broadcast %broadcast_in_dim3A_65 : f32 to vector<16xf32>
    %broadcast_in_dim3A_67 = arith.constant 0 : i32
    %broadcast_in_dim3A_68 = vector.broadcast %broadcast_in_dim3A_67 : i32 to vector<16xi32>
    %scan3A_69 = arith.constant 0 : i32
    %scan3A_70 = arith.constant 64 : i32
    %scan3A_71 = arith.addi %scan3A_69, %scan3A_70 : i32
    %scan3A_72 = arith.constant 1 : i32
    %scan3A_73:4 = scf.for %scan3A_280 = %scan3A_69 to %scan3A_71 step %scan3A_72 iter_args(%scan3A_281 = %broadcast_in_dim3A_66, %scan3A_282 = %broadcast_in_dim3A_68, %scan3A_283 = %broadcast_in_dim3A_66, %scan3A_284 = %broadcast_in_dim3A_68) -> (vector<16xf32>, vector<16xi32>, vector<16xf32>, vector<16xi32>)  : i32 {
      %get3A = arith.index_cast %scan3A_280 : i32 to index
      %get3A_285 = arith.constant 32 : index
      %get3A_286 = tpu.vector_load %arg5[%get3A, %get3A_285] {strides = array<i32>} : memref<64x128xf32, #tpu.memory_space<vmem>>, vector<1x16xf32>,
      %get3A_287 = vector.shape_cast %get3A_286 : vector<1x16xf32> to vector<16xf32>
      %broadcast_in_dim3A_288 = arith.constant 0 : i32
      %broadcast_in_dim3A_289 = vector.broadcast %broadcast_in_dim3A_288 : i32 to vector<16xi32>
      %add3A_290 = vector.broadcast %scan3A_280 : i32 to vector<16xi32>
      %add3A_291 = arith.addi %broadcast_in_dim3A_289, %add3A_290 : vector<16xi32>
      %gt3A = arith.cmpf ogt, %get3A_287, %scan3A_283 : vector<16xf32>
      %select_n3A = arith.select %gt3A, %get3A_287, %scan3A_283 : vector<16xi1>, vector<16xf32>
      %select_n3A_292 = arith.select %gt3A, %add3A_291, %scan3A_284 : vector<16xi1>, vector<16xi32>
      %gt3A_293 = arith.cmpf ogt, %get3A_287, %scan3A_281 : vector<16xf32>
      %select_n3A_294 = arith.select %gt3A_293, %scan3A_281, %select_n3A : vector<16xi1>, vector<16xf32>
      %select_n3A_295 = arith.select %gt3A_293, %scan3A_282, %select_n3A_292 : vector<16xi1>, vector<16xi32>
      %select_n3A_296 = arith.select %gt3A_293, %get3A_287, %scan3A_281 : vector<16xi1>, vector<16xf32>
      %select_n3A_297 = arith.select %gt3A_293, %add3A_291, %scan3A_282 : vector<16xi1>, vector<16xi32>
      scf.yield %select_n3A_296, %select_n3A_297, %select_n3A_294, %select_n3A_295 : vector<16xf32>, vector<16xi32>, vector<16xf32>, vector<16xi32>
    }
    %scan3A_74 = arith.constant 64 : i32
    %sub3A_75 = arith.subf %scan3A_73#2, %scan3A_73#0 : vector<16xf32>
    %exp3A_76 = math.exp %sub3A_75 : vector<16xf32>
    %add3A_77 = arith.constant 1.000000e+00 : f32
    %add3A_78 = vector.broadcast %add3A_77 : f32 to vector<16xf32>
    %add3A_79 = arith.addf %add3A_78, %exp3A_76 : vector<16xf32>
    %swap3A_80 = arith.constant 32 : index
    %swap3A_81 = tpu.vector_load %arg6[%swap3A_80] {strides = array<i32>} : memref<128xi32, #tpu.memory_space<vmem>>, vector<16xi32>,
    %swap3A_82 = vector.shape_cast %swap3A_81 : vector<16xi32> to vector<16xi32>
    %swap3A_83 = vector.shape_cast %scan3A_73#1 : vector<16xi32> to vector<16xi32>
    tpu.vector_store %arg6[%swap3A_80], %swap3A_83 {strides = array<i32>} : memref<128xi32, #tpu.memory_space<vmem>>, vector<16xi32>,
    %swap3A_84 = arith.constant 32 : index
    %swap3A_85 = tpu.vector_load %arg7[%swap3A_84] {strides = array<i32>} : memref<128xi32, #tpu.memory_space<vmem>>, vector<16xi32>,
    %swap3A_86 = vector.shape_cast %swap3A_85 : vector<16xi32> to vector<16xi32>
    %swap3A_87 = vector.shape_cast %scan3A_73#3 : vector<16xi32> to vector<16xi32>
    tpu.vector_store %arg7[%swap3A_84], %swap3A_87 {strides = array<i32>} : memref<128xi32, #tpu.memory_space<vmem>>, vector<16xi32>,
    %div3A_88 = arith.constant 1.000000e+00 : f32
    %div3A_89 = vector.broadcast %div3A_88 : f32 to vector<16xf32>
    %div3A_90 = arith.divf %div3A_89, %add3A_79 : vector<16xf32>
    %swap3A_91 = arith.constant 32 : index
    %swap3A_92 = tpu.vector_load %arg8[%swap3A_91] {strides = array<i32>} : memref<128xf32, #tpu.memory_space<vmem>>, vector<16xf32>,
    %swap3A_93 = vector.shape_cast %swap3A_92 : vector<16xf32> to vector<16xf32>
    %swap3A_94 = vector.shape_cast %div3A_90 : vector<16xf32> to vector<16xf32>
    tpu.vector_store %arg8[%swap3A_91], %swap3A_94 {strides = array<i32>} : memref<128xf32, #tpu.memory_space<vmem>>, vector<16xf32>,
    %div3A_95 = arith.divf %exp3A_76, %add3A_79 : vector<16xf32>
    %swap3A_96 = arith.constant 32 : index
    %swap3A_97 = tpu.vector_load %arg9[%swap3A_96] {strides = array<i32>} : memref<128xf32, #tpu.memory_space<vmem>>, vector<16xf32>,
    %swap3A_98 = vector.shape_cast %swap3A_97 : vector<16xf32> to vector<16xf32>
    %swap3A_99 = vector.shape_cast %div3A_95 : vector<16xf32> to vector<16xf32>
    tpu.vector_store %arg9[%swap3A_96], %swap3A_99 {strides = array<i32>} : memref<128xf32, #tpu.memory_space<vmem>>, vector<16xf32>,
    %broadcast_in_dim3A_100 = arith.constant -3.000000e+38 : f32
    %broadcast_in_dim3A_101 = vector.broadcast %broadcast_in_dim3A_100 : f32 to vector<16xf32>
    %broadcast_in_dim3A_102 = arith.constant 0 : i32
    %broadcast_in_dim3A_103 = vector.broadcast %broadcast_in_dim3A_102 : i32 to vector<16xi32>
    %scan3A_104 = arith.constant 0 : i32
    %scan3A_105 = arith.constant 64 : i32
    %scan3A_106 = arith.addi %scan3A_104, %scan3A_105 : i32
    %scan3A_107 = arith.constant 1 : i32
    %scan3A_108:4 = scf.for %scan3A_280 = %scan3A_104 to %scan3A_106 step %scan3A_107 iter_args(%scan3A_281 = %broadcast_in_dim3A_101, %scan3A_282 = %broadcast_in_dim3A_103, %scan3A_283 = %broadcast_in_dim3A_101, %scan3A_284 = %broadcast_in_dim3A_103) -> (vector<16xf32>, vector<16xi32>, vector<16xf32>, vector<16xi32>)  : i32 {
      %get3A = arith.index_cast %scan3A_280 : i32 to index
      %get3A_285 = arith.constant 48 : index
      %get3A_286 = tpu.vector_load %arg5[%get3A, %get3A_285] {strides = array<i32>} : memref<64x128xf32, #tpu.memory_space<vmem>>, vector<1x16xf32>,
      %get3A_287 = vector.shape_cast %get3A_286 : vector<1x16xf32> to vector<16xf32>
      %broadcast_in_dim3A_288 = arith.constant 0 : i32
      %broadcast_in_dim3A_289 = vector.broadcast %broadcast_in_dim3A_288 : i32 to vector<16xi32>
      %add3A_290 = vector.broadcast %scan3A_280 : i32 to vector<16xi32>
      %add3A_291 = arith.addi %broadcast_in_dim3A_289, %add3A_290 : vector<16xi32>
      %gt3A = arith.cmpf ogt, %get3A_287, %scan3A_283 : vector<16xf32>
      %select_n3A = arith.select %gt3A, %get3A_287, %scan3A_283 : vector<16xi1>, vector<16xf32>
      %select_n3A_292 = arith.select %gt3A, %add3A_291, %scan3A_284 : vector<16xi1>, vector<16xi32>
      %gt3A_293 = arith.cmpf ogt, %get3A_287, %scan3A_281 : vector<16xf32>
      %select_n3A_294 = arith.select %gt3A_293, %scan3A_281, %select_n3A : vector<16xi1>, vector<16xf32>
      %select_n3A_295 = arith.select %gt3A_293, %scan3A_282, %select_n3A_292 : vector<16xi1>, vector<16xi32>
      %select_n3A_296 = arith.select %gt3A_293, %get3A_287, %scan3A_281 : vector<16xi1>, vector<16xf32>
      %select_n3A_297 = arith.select %gt3A_293, %add3A_291, %scan3A_282 : vector<16xi1>, vector<16xi32>
      scf.yield %select_n3A_296, %select_n3A_297, %select_n3A_294, %select_n3A_295 : vector<16xf32>, vector<16xi32>, vector<16xf32>, vector<16xi32>
    }
    %scan3A_109 = arith.constant 64 : i32
    %sub3A_110 = arith.subf %scan3A_108#2, %scan3A_108#0 : vector<16xf32>
    %exp3A_111 = math.exp %sub3A_110 : vector<16xf32>
    %add3A_112 = arith.constant 1.000000e+00 : f32
    %add3A_113 = vector.broadcast %add3A_112 : f32 to vector<16xf32>
    %add3A_114 = arith.addf %add3A_113, %exp3A_111 : vector<16xf32>
    %swap3A_115 = arith.constant 48 : index
    %swap3A_116 = tpu.vector_load %arg6[%swap3A_115] {strides = array<i32>} : memref<128xi32, #tpu.memory_space<vmem>>, vector<16xi32>,
    %swap3A_117 = vector.shape_cast %swap3A_116 : vector<16xi32> to vector<16xi32>
    %swap3A_118 = vector.shape_cast %scan3A_108#1 : vector<16xi32> to vector<16xi32>
    tpu.vector_store %arg6[%swap3A_115], %swap3A_118 {strides = array<i32>} : memref<128xi32, #tpu.memory_space<vmem>>, vector<16xi32>,
    %swap3A_119 = arith.constant 48 : index
    %swap3A_120 = tpu.vector_load %arg7[%swap3A_119] {strides = array<i32>} : memref<128xi32, #tpu.memory_space<vmem>>, vector<16xi32>,
    %swap3A_121 = vector.shape_cast %swap3A_120 : vector<16xi32> to vector<16xi32>
    %swap3A_122 = vector.shape_cast %scan3A_108#3 : vector<16xi32> to vector<16xi32>
    tpu.vector_store %arg7[%swap3A_119], %swap3A_122 {strides = array<i32>} : memref<128xi32, #tpu.memory_space<vmem>>, vector<16xi32>,
    %div3A_123 = arith.constant 1.000000e+00 : f32
    %div3A_124 = vector.broadcast %div3A_123 : f32 to vector<16xf32>
    %div3A_125 = arith.divf %div3A_124, %add3A_114 : vector<16xf32>
    %swap3A_126 = arith.constant 48 : index
    %swap3A_127 = tpu.vector_load %arg8[%swap3A_126] {strides = array<i32>} : memref<128xf32, #tpu.memory_space<vmem>>, vector<16xf32>,
    %swap3A_128 = vector.shape_cast %swap3A_127 : vector<16xf32> to vector<16xf32>
    %swap3A_129 = vector.shape_cast %div3A_125 : vector<16xf32> to vector<16xf32>
    tpu.vector_store %arg8[%swap3A_126], %swap3A_129 {strides = array<i32>} : memref<128xf32, #tpu.memory_space<vmem>>, vector<16xf32>,
    %div3A_130 = arith.divf %exp3A_111, %add3A_114 : vector<16xf32>
    %swap3A_131 = arith.constant 48 : index
    %swap3A_132 = tpu.vector_load %arg9[%swap3A_131] {strides = array<i32>} : memref<128xf32, #tpu.memory_space<vmem>>, vector<16xf32>,
    %swap3A_133 = vector.shape_cast %swap3A_132 : vector<16xf32> to vector<16xf32>
    %swap3A_134 = vector.shape_cast %div3A_130 : vector<16xf32> to vector<16xf32>
    tpu.vector_store %arg9[%swap3A_131], %swap3A_134 {strides = array<i32>} : memref<128xf32, #tpu.memory_space<vmem>>, vector<16xf32>,
    %broadcast_in_dim3A_135 = arith.constant -3.000000e+38 : f32
    %broadcast_in_dim3A_136 = vector.broadcast %broadcast_in_dim3A_135 : f32 to vector<16xf32>
    %broadcast_in_dim3A_137 = arith.constant 0 : i32
    %broadcast_in_dim3A_138 = vector.broadcast %broadcast_in_dim3A_137 : i32 to vector<16xi32>
    %scan3A_139 = arith.constant 0 : i32
    %scan3A_140 = arith.constant 64 : i32
    %scan3A_141 = arith.addi %scan3A_139, %scan3A_140 : i32
    %scan3A_142 = arith.constant 1 : i32
    %scan3A_143:4 = scf.for %scan3A_280 = %scan3A_139 to %scan3A_141 step %scan3A_142 iter_args(%scan3A_281 = %broadcast_in_dim3A_136, %scan3A_282 = %broadcast_in_dim3A_138, %scan3A_283 = %broadcast_in_dim3A_136, %scan3A_284 = %broadcast_in_dim3A_138) -> (vector<16xf32>, vector<16xi32>, vector<16xf32>, vector<16xi32>)  : i32 {
      %get3A = arith.index_cast %scan3A_280 : i32 to index
      %get3A_285 = arith.constant 64 : index
      %get3A_286 = tpu.vector_load %arg5[%get3A, %get3A_285] {strides = array<i32>} : memref<64x128xf32, #tpu.memory_space<vmem>>, vector<1x16xf32>,
      %get3A_287 = vector.shape_cast %get3A_286 : vector<1x16xf32> to vector<16xf32>
      %broadcast_in_dim3A_288 = arith.constant 0 : i32
      %broadcast_in_dim3A_289 = vector.broadcast %broadcast_in_dim3A_288 : i32 to vector<16xi32>
      %add3A_290 = vector.broadcast %scan3A_280 : i32 to vector<16xi32>
      %add3A_291 = arith.addi %broadcast_in_dim3A_289, %add3A_290 : vector<16xi32>
      %gt3A = arith.cmpf ogt, %get3A_287, %scan3A_283 : vector<16xf32>
      %select_n3A = arith.select %gt3A, %get3A_287, %scan3A_283 : vector<16xi1>, vector<16xf32>
      %select_n3A_292 = arith.select %gt3A, %add3A_291, %scan3A_284 : vector<16xi1>, vector<16xi32>
      %gt3A_293 = arith.cmpf ogt, %get3A_287, %scan3A_281 : vector<16xf32>
      %select_n3A_294 = arith.select %gt3A_293, %scan3A_281, %select_n3A : vector<16xi1>, vector<16xf32>
      %select_n3A_295 = arith.select %gt3A_293, %scan3A_282, %select_n3A_292 : vector<16xi1>, vector<16xi32>
      %select_n3A_296 = arith.select %gt3A_293, %get3A_287, %scan3A_281 : vector<16xi1>, vector<16xf32>
      %select_n3A_297 = arith.select %gt3A_293, %add3A_291, %scan3A_282 : vector<16xi1>, vector<16xi32>
      scf.yield %select_n3A_296, %select_n3A_297, %select_n3A_294, %select_n3A_295 : vector<16xf32>, vector<16xi32>, vector<16xf32>, vector<16xi32>
    }
    %scan3A_144 = arith.constant 64 : i32
    %sub3A_145 = arith.subf %scan3A_143#2, %scan3A_143#0 : vector<16xf32>
    %exp3A_146 = math.exp %sub3A_145 : vector<16xf32>
    %add3A_147 = arith.constant 1.000000e+00 : f32
    %add3A_148 = vector.broadcast %add3A_147 : f32 to vector<16xf32>
    %add3A_149 = arith.addf %add3A_148, %exp3A_146 : vector<16xf32>
    %swap3A_150 = arith.constant 64 : index
    %swap3A_151 = tpu.vector_load %arg6[%swap3A_150] {strides = array<i32>} : memref<128xi32, #tpu.memory_space<vmem>>, vector<16xi32>,
    %swap3A_152 = vector.shape_cast %swap3A_151 : vector<16xi32> to vector<16xi32>
    %swap3A_153 = vector.shape_cast %scan3A_143#1 : vector<16xi32> to vector<16xi32>
    tpu.vector_store %arg6[%swap3A_150], %swap3A_153 {strides = array<i32>} : memref<128xi32, #tpu.memory_space<vmem>>, vector<16xi32>,
    %swap3A_154 = arith.constant 64 : index
    %swap3A_155 = tpu.vector_load %arg7[%swap3A_154] {strides = array<i32>} : memref<128xi32, #tpu.memory_space<vmem>>, vector<16xi32>,
    %swap3A_156 = vector.shape_cast %swap3A_155 : vector<16xi32> to vector<16xi32>
    %swap3A_157 = vector.shape_cast %scan3A_143#3 : vector<16xi32> to vector<16xi32>
    tpu.vector_store %arg7[%swap3A_154], %swap3A_157 {strides = array<i32>} : memref<128xi32, #tpu.memory_space<vmem>>, vector<16xi32>,
    %div3A_158 = arith.constant 1.000000e+00 : f32
    %div3A_159 = vector.broadcast %div3A_158 : f32 to vector<16xf32>
    %div3A_160 = arith.divf %div3A_159, %add3A_149 : vector<16xf32>
    %swap3A_161 = arith.constant 64 : index
    %swap3A_162 = tpu.vector_load %arg8[%swap3A_161] {strides = array<i32>} : memref<128xf32, #tpu.memory_space<vmem>>, vector<16xf32>,
    %swap3A_163 = vector.shape_cast %swap3A_162 : vector<16xf32> to vector<16xf32>
    %swap3A_164 = vector.shape_cast %div3A_160 : vector<16xf32> to vector<16xf32>
    tpu.vector_store %arg8[%swap3A_161], %swap3A_164 {strides = array<i32>} : memref<128xf32, #tpu.memory_space<vmem>>, vector<16xf32>,
    %div3A_165 = arith.divf %exp3A_146, %add3A_149 : vector<16xf32>
    %swap3A_166 = arith.constant 64 : index
    %swap3A_167 = tpu.vector_load %arg9[%swap3A_166] {strides = array<i32>} : memref<128xf32, #tpu.memory_space<vmem>>, vector<16xf32>,
    %swap3A_168 = vector.shape_cast %swap3A_167 : vector<16xf32> to vector<16xf32>
    %swap3A_169 = vector.shape_cast %div3A_165 : vector<16xf32> to vector<16xf32>
    tpu.vector_store %arg9[%swap3A_166], %swap3A_169 {strides = array<i32>} : memref<128xf32, #tpu.memory_space<vmem>>, vector<16xf32>,
    %broadcast_in_dim3A_170 = arith.constant -3.000000e+38 : f32
    %broadcast_in_dim3A_171 = vector.broadcast %broadcast_in_dim3A_170 : f32 to vector<16xf32>
    %broadcast_in_dim3A_172 = arith.constant 0 : i32
    %broadcast_in_dim3A_173 = vector.broadcast %broadcast_in_dim3A_172 : i32 to vector<16xi32>
    %scan3A_174 = arith.constant 0 : i32
    %scan3A_175 = arith.constant 64 : i32
    %scan3A_176 = arith.addi %scan3A_174, %scan3A_175 : i32
    %scan3A_177 = arith.constant 1 : i32
    %scan3A_178:4 = scf.for %scan3A_280 = %scan3A_174 to %scan3A_176 step %scan3A_177 iter_args(%scan3A_281 = %broadcast_in_dim3A_171, %scan3A_282 = %broadcast_in_dim3A_173, %scan3A_283 = %broadcast_in_dim3A_171, %scan3A_284 = %broadcast_in_dim3A_173) -> (vector<16xf32>, vector<16xi32>, vector<16xf32>, vector<16xi32>)  : i32 {
      %get3A = arith.index_cast %scan3A_280 : i32 to index
      %get3A_285 = arith.constant 80 : index
      %get3A_286 = tpu.vector_load %arg5[%get3A, %get3A_285] {strides = array<i32>} : memref<64x128xf32, #tpu.memory_space<vmem>>, vector<1x16xf32>,
      %get3A_287 = vector.shape_cast %get3A_286 : vector<1x16xf32> to vector<16xf32>
      %broadcast_in_dim3A_288 = arith.constant 0 : i32
      %broadcast_in_dim3A_289 = vector.broadcast %broadcast_in_dim3A_288 : i32 to vector<16xi32>
      %add3A_290 = vector.broadcast %scan3A_280 : i32 to vector<16xi32>
      %add3A_291 = arith.addi %broadcast_in_dim3A_289, %add3A_290 : vector<16xi32>
      %gt3A = arith.cmpf ogt, %get3A_287, %scan3A_283 : vector<16xf32>
      %select_n3A = arith.select %gt3A, %get3A_287, %scan3A_283 : vector<16xi1>, vector<16xf32>
      %select_n3A_292 = arith.select %gt3A, %add3A_291, %scan3A_284 : vector<16xi1>, vector<16xi32>
      %gt3A_293 = arith.cmpf ogt, %get3A_287, %scan3A_281 : vector<16xf32>
      %select_n3A_294 = arith.select %gt3A_293, %scan3A_281, %select_n3A : vector<16xi1>, vector<16xf32>
      %select_n3A_295 = arith.select %gt3A_293, %scan3A_282, %select_n3A_292 : vector<16xi1>, vector<16xi32>
      %select_n3A_296 = arith.select %gt3A_293, %get3A_287, %scan3A_281 : vector<16xi1>, vector<16xf32>
      %select_n3A_297 = arith.select %gt3A_293, %add3A_291, %scan3A_282 : vector<16xi1>, vector<16xi32>
      scf.yield %select_n3A_296, %select_n3A_297, %select_n3A_294, %select_n3A_295 : vector<16xf32>, vector<16xi32>, vector<16xf32>, vector<16xi32>
    }
    %scan3A_179 = arith.constant 64 : i32
    %sub3A_180 = arith.subf %scan3A_178#2, %scan3A_178#0 : vector<16xf32>
    %exp3A_181 = math.exp %sub3A_180 : vector<16xf32>
    %add3A_182 = arith.constant 1.000000e+00 : f32
    %add3A_183 = vector.broadcast %add3A_182 : f32 to vector<16xf32>
    %add3A_184 = arith.addf %add3A_183, %exp3A_181 : vector<16xf32>
    %swap3A_185 = arith.constant 80 : index
    %swap3A_186 = tpu.vector_load %arg6[%swap3A_185] {strides = array<i32>} : memref<128xi32, #tpu.memory_space<vmem>>, vector<16xi32>,
    %swap3A_187 = vector.shape_cast %swap3A_186 : vector<16xi32> to vector<16xi32>
    %swap3A_188 = vector.shape_cast %scan3A_178#1 : vector<16xi32> to vector<16xi32>
    tpu.vector_store %arg6[%swap3A_185], %swap3A_188 {strides = array<i32>} : memref<128xi32, #tpu.memory_space<vmem>>, vector<16xi32>,
    %swap3A_189 = arith.constant 80 : index
    %swap3A_190 = tpu.vector_load %arg7[%swap3A_189] {strides = array<i32>} : memref<128xi32, #tpu.memory_space<vmem>>, vector<16xi32>,
    %swap3A_191 = vector.shape_cast %swap3A_190 : vector<16xi32> to vector<16xi32>
    %swap3A_192 = vector.shape_cast %scan3A_178#3 : vector<16xi32> to vector<16xi32>
    tpu.vector_store %arg7[%swap3A_189], %swap3A_192 {strides = array<i32>} : memref<128xi32, #tpu.memory_space<vmem>>, vector<16xi32>,
    %div3A_193 = arith.constant 1.000000e+00 : f32
    %div3A_194 = vector.broadcast %div3A_193 : f32 to vector<16xf32>
    %div3A_195 = arith.divf %div3A_194, %add3A_184 : vector<16xf32>
    %swap3A_196 = arith.constant 80 : index
    %swap3A_197 = tpu.vector_load %arg8[%swap3A_196] {strides = array<i32>} : memref<128xf32, #tpu.memory_space<vmem>>, vector<16xf32>,
    %swap3A_198 = vector.shape_cast %swap3A_197 : vector<16xf32> to vector<16xf32>
    %swap3A_199 = vector.shape_cast %div3A_195 : vector<16xf32> to vector<16xf32>
    tpu.vector_store %arg8[%swap3A_196], %swap3A_199 {strides = array<i32>} : memref<128xf32, #tpu.memory_space<vmem>>, vector<16xf32>,
    %div3A_200 = arith.divf %exp3A_181, %add3A_184 : vector<16xf32>
    %swap3A_201 = arith.constant 80 : index
    %swap3A_202 = tpu.vector_load %arg9[%swap3A_201] {strides = array<i32>} : memref<128xf32, #tpu.memory_space<vmem>>, vector<16xf32>,
    %swap3A_203 = vector.shape_cast %swap3A_202 : vector<16xf32> to vector<16xf32>
    %swap3A_204 = vector.shape_cast %div3A_200 : vector<16xf32> to vector<16xf32>
    tpu.vector_store %arg9[%swap3A_201], %swap3A_204 {strides = array<i32>} : memref<128xf32, #tpu.memory_space<vmem>>, vector<16xf32>,
    %broadcast_in_dim3A_205 = arith.constant -3.000000e+38 : f32
    %broadcast_in_dim3A_206 = vector.broadcast %broadcast_in_dim3A_205 : f32 to vector<16xf32>
    %broadcast_in_dim3A_207 = arith.constant 0 : i32
    %broadcast_in_dim3A_208 = vector.broadcast %broadcast_in_dim3A_207 : i32 to vector<16xi32>
    %scan3A_209 = arith.constant 0 : i32
    %scan3A_210 = arith.constant 64 : i32
    %scan3A_211 = arith.addi %scan3A_209, %scan3A_210 : i32
    %scan3A_212 = arith.constant 1 : i32
    %scan3A_213:4 = scf.for %scan3A_280 = %scan3A_209 to %scan3A_211 step %scan3A_212 iter_args(%scan3A_281 = %broadcast_in_dim3A_206, %scan3A_282 = %broadcast_in_dim3A_208, %scan3A_283 = %broadcast_in_dim3A_206, %scan3A_284 = %broadcast_in_dim3A_208) -> (vector<16xf32>, vector<16xi32>, vector<16xf32>, vector<16xi32>)  : i32 {
      %get3A = arith.index_cast %scan3A_280 : i32 to index
      %get3A_285 = arith.constant 96 : index
      %get3A_286 = tpu.vector_load %arg5[%get3A, %get3A_285] {strides = array<i32>} : memref<64x128xf32, #tpu.memory_space<vmem>>, vector<1x16xf32>,
      %get3A_287 = vector.shape_cast %get3A_286 : vector<1x16xf32> to vector<16xf32>
      %broadcast_in_dim3A_288 = arith.constant 0 : i32
      %broadcast_in_dim3A_289 = vector.broadcast %broadcast_in_dim3A_288 : i32 to vector<16xi32>
      %add3A_290 = vector.broadcast %scan3A_280 : i32 to vector<16xi32>
      %add3A_291 = arith.addi %broadcast_in_dim3A_289, %add3A_290 : vector<16xi32>
      %gt3A = arith.cmpf ogt, %get3A_287, %scan3A_283 : vector<16xf32>
      %select_n3A = arith.select %gt3A, %get3A_287, %scan3A_283 : vector<16xi1>, vector<16xf32>
      %select_n3A_292 = arith.select %gt3A, %add3A_291, %scan3A_284 : vector<16xi1>, vector<16xi32>
      %gt3A_293 = arith.cmpf ogt, %get3A_287, %scan3A_281 : vector<16xf32>
      %select_n3A_294 = arith.select %gt3A_293, %scan3A_281, %select_n3A : vector<16xi1>, vector<16xf32>
      %select_n3A_295 = arith.select %gt3A_293, %scan3A_282, %select_n3A_292 : vector<16xi1>, vector<16xi32>
      %select_n3A_296 = arith.select %gt3A_293, %get3A_287, %scan3A_281 : vector<16xi1>, vector<16xf32>
      %select_n3A_297 = arith.select %gt3A_293, %add3A_291, %scan3A_282 : vector<16xi1>, vector<16xi32>
      scf.yield %select_n3A_296, %select_n3A_297, %select_n3A_294, %select_n3A_295 : vector<16xf32>, vector<16xi32>, vector<16xf32>, vector<16xi32>
    }
    %scan3A_214 = arith.constant 64 : i32
    %sub3A_215 = arith.subf %scan3A_213#2, %scan3A_213#0 : vector<16xf32>
    %exp3A_216 = math.exp %sub3A_215 : vector<16xf32>
    %add3A_217 = arith.constant 1.000000e+00 : f32
    %add3A_218 = vector.broadcast %add3A_217 : f32 to vector<16xf32>
    %add3A_219 = arith.addf %add3A_218, %exp3A_216 : vector<16xf32>
    %swap3A_220 = arith.constant 96 : index
    %swap3A_221 = tpu.vector_load %arg6[%swap3A_220] {strides = array<i32>} : memref<128xi32, #tpu.memory_space<vmem>>, vector<16xi32>,
    %swap3A_222 = vector.shape_cast %swap3A_221 : vector<16xi32> to vector<16xi32>
    %swap3A_223 = vector.shape_cast %scan3A_213#1 : vector<16xi32> to vector<16xi32>
    tpu.vector_store %arg6[%swap3A_220], %swap3A_223 {strides = array<i32>} : memref<128xi32, #tpu.memory_space<vmem>>, vector<16xi32>,
    %swap3A_224 = arith.constant 96 : index
    %swap3A_225 = tpu.vector_load %arg7[%swap3A_224] {strides = array<i32>} : memref<128xi32, #tpu.memory_space<vmem>>, vector<16xi32>,
    %swap3A_226 = vector.shape_cast %swap3A_225 : vector<16xi32> to vector<16xi32>
    %swap3A_227 = vector.shape_cast %scan3A_213#3 : vector<16xi32> to vector<16xi32>
    tpu.vector_store %arg7[%swap3A_224], %swap3A_227 {strides = array<i32>} : memref<128xi32, #tpu.memory_space<vmem>>, vector<16xi32>,
    %div3A_228 = arith.constant 1.000000e+00 : f32
    %div3A_229 = vector.broadcast %div3A_228 : f32 to vector<16xf32>
    %div3A_230 = arith.divf %div3A_229, %add3A_219 : vector<16xf32>
    %swap3A_231 = arith.constant 96 : index
    %swap3A_232 = tpu.vector_load %arg8[%swap3A_231] {strides = array<i32>} : memref<128xf32, #tpu.memory_space<vmem>>, vector<16xf32>,
    %swap3A_233 = vector.shape_cast %swap3A_232 : vector<16xf32> to vector<16xf32>
    %swap3A_234 = vector.shape_cast %div3A_230 : vector<16xf32> to vector<16xf32>
    tpu.vector_store %arg8[%swap3A_231], %swap3A_234 {strides = array<i32>} : memref<128xf32, #tpu.memory_space<vmem>>, vector<16xf32>,
    %div3A_235 = arith.divf %exp3A_216, %add3A_219 : vector<16xf32>
    %swap3A_236 = arith.constant 96 : index
    %swap3A_237 = tpu.vector_load %arg9[%swap3A_236] {strides = array<i32>} : memref<128xf32, #tpu.memory_space<vmem>>, vector<16xf32>,
    %swap3A_238 = vector.shape_cast %swap3A_237 : vector<16xf32> to vector<16xf32>
    %swap3A_239 = vector.shape_cast %div3A_235 : vector<16xf32> to vector<16xf32>
    tpu.vector_store %arg9[%swap3A_236], %swap3A_239 {strides = array<i32>} : memref<128xf32, #tpu.memory_space<vmem>>, vector<16xf32>,
    %broadcast_in_dim3A_240 = arith.constant -3.000000e+38 : f32
    %broadcast_in_dim3A_241 = vector.broadcast %broadcast_in_dim3A_240 : f32 to vector<16xf32>
    %broadcast_in_dim3A_242 = arith.constant 0 : i32
    %broadcast_in_dim3A_243 = vector.broadcast %broadcast_in_dim3A_242 : i32 to vector<16xi32>
    %scan3A_244 = arith.constant 0 : i32
    %scan3A_245 = arith.constant 64 : i32
    %scan3A_246 = arith.addi %scan3A_244, %scan3A_245 : i32
    %scan3A_247 = arith.constant 1 : i32
    %scan3A_248:4 = scf.for %scan3A_280 = %scan3A_244 to %scan3A_246 step %scan3A_247 iter_args(%scan3A_281 = %broadcast_in_dim3A_241, %scan3A_282 = %broadcast_in_dim3A_243, %scan3A_283 = %broadcast_in_dim3A_241, %scan3A_284 = %broadcast_in_dim3A_243) -> (vector<16xf32>, vector<16xi32>, vector<16xf32>, vector<16xi32>)  : i32 {
      %get3A = arith.index_cast %scan3A_280 : i32 to index
      %get3A_285 = arith.constant 112 : index
      %get3A_286 = tpu.vector_load %arg5[%get3A, %get3A_285] {strides = array<i32>} : memref<64x128xf32, #tpu.memory_space<vmem>>, vector<1x16xf32>,
      %get3A_287 = vector.shape_cast %get3A_286 : vector<1x16xf32> to vector<16xf32>
      %broadcast_in_dim3A_288 = arith.constant 0 : i32
      %broadcast_in_dim3A_289 = vector.broadcast %broadcast_in_dim3A_288 : i32 to vector<16xi32>
      %add3A_290 = vector.broadcast %scan3A_280 : i32 to vector<16xi32>
      %add3A_291 = arith.addi %broadcast_in_dim3A_289, %add3A_290 : vector<16xi32>
      %gt3A = arith.cmpf ogt, %get3A_287, %scan3A_283 : vector<16xf32>
      %select_n3A = arith.select %gt3A, %get3A_287, %scan3A_283 : vector<16xi1>, vector<16xf32>
      %select_n3A_292 = arith.select %gt3A, %add3A_291, %scan3A_284 : vector<16xi1>, vector<16xi32>
      %gt3A_293 = arith.cmpf ogt, %get3A_287, %scan3A_281 : vector<16xf32>
      %select_n3A_294 = arith.select %gt3A_293, %scan3A_281, %select_n3A : vector<16xi1>, vector<16xf32>
      %select_n3A_295 = arith.select %gt3A_293, %scan3A_282, %select_n3A_292 : vector<16xi1>, vector<16xi32>
      %select_n3A_296 = arith.select %gt3A_293, %get3A_287, %scan3A_281 : vector<16xi1>, vector<16xf32>
      %select_n3A_297 = arith.select %gt3A_293, %add3A_291, %scan3A_282 : vector<16xi1>, vector<16xi32>
      scf.yield %select_n3A_296, %select_n3A_297, %select_n3A_294, %select_n3A_295 : vector<16xf32>, vector<16xi32>, vector<16xf32>, vector<16xi32>
    }
    %scan3A_249 = arith.constant 64 : i32
    %sub3A_250 = arith.subf %scan3A_248#2, %scan3A_248#0 : vector<16xf32>
    %exp3A_251 = math.exp %sub3A_250 : vector<16xf32>
    %add3A_252 = arith.constant 1.000000e+00 : f32
    %add3A_253 = vector.broadcast %add3A_252 : f32 to vector<16xf32>
    %add3A_254 = arith.addf %add3A_253, %exp3A_251 : vector<16xf32>
    %swap3A_255 = arith.constant 112 : index
    %swap3A_256 = tpu.vector_load %arg6[%swap3A_255] {strides = array<i32>} : memref<128xi32, #tpu.memory_space<vmem>>, vector<16xi32>,
    %swap3A_257 = vector.shape_cast %swap3A_256 : vector<16xi32> to vector<16xi32>
    %swap3A_258 = vector.shape_cast %scan3A_248#1 : vector<16xi32> to vector<16xi32>
    tpu.vector_store %arg6[%swap3A_255], %swap3A_258 {strides = array<i32>} : memref<128xi32, #tpu.memory_space<vmem>>, vector<16xi32>,
    %swap3A_259 = arith.constant 112 : index
    %swap3A_260 = tpu.vector_load %arg7[%swap3A_259] {strides = array<i32>} : memref<128xi32, #tpu.memory_space<vmem>>, vector<16xi32>,
    %swap3A_261 = vector.shape_cast %swap3A_260 : vector<16xi32> to vector<16xi32>
    %swap3A_262 = vector.shape_cast %scan3A_248#3 : vector<16xi32> to vector<16xi32>
    tpu.vector_store %arg7[%swap3A_259], %swap3A_262 {strides = array<i32>} : memref<128xi32, #tpu.memory_space<vmem>>, vector<16xi32>,
    %div3A_263 = arith.constant 1.000000e+00 : f32
    %div3A_264 = vector.broadcast %div3A_263 : f32 to vector<16xf32>
    %div3A_265 = arith.divf %div3A_264, %add3A_254 : vector<16xf32>
    %swap3A_266 = arith.constant 112 : index
    %swap3A_267 = tpu.vector_load %arg8[%swap3A_266] {strides = array<i32>} : memref<128xf32, #tpu.memory_space<vmem>>, vector<16xf32>,
    %swap3A_268 = vector.shape_cast %swap3A_267 : vector<16xf32> to vector<16xf32>
    %swap3A_269 = vector.shape_cast %div3A_265 : vector<16xf32> to vector<16xf32>
    tpu.vector_store %arg8[%swap3A_266], %swap3A_269 {strides = array<i32>} : memref<128xf32, #tpu.memory_space<vmem>>, vector<16xf32>,
    %div3A_270 = arith.divf %exp3A_251, %add3A_254 : vector<16xf32>
    %swap3A_271 = arith.constant 112 : index
    %swap3A_272 = tpu.vector_load %arg9[%swap3A_271] {strides = array<i32>} : memref<128xf32, #tpu.memory_space<vmem>>, vector<16xf32>,
    %swap3A_273 = vector.shape_cast %swap3A_272 : vector<16xf32> to vector<16xf32>
    %swap3A_274 = vector.shape_cast %div3A_270 : vector<16xf32> to vector<16xf32>
    tpu.vector_store %arg9[%swap3A_271], %swap3A_274 {strides = array<i32>} : memref<128xf32, #tpu.memory_space<vmem>>, vector<16xf32>,
    %mul3A_275 = arith.constant 128 : i32
    %mul3A_276 = arith.muli %add3A, %mul3A_275 : i32
    %run_scoped3A = arith.constant 0 : i32
    "tpu.region"() ({
      %run_scoped3A_280 = tpu.sem_alloc : memref<!tpu.dma_semaphore, #tpu.memory_space<semaphore_mem>>
      %dma_start3A = tpu.memref_slice %arg3[%run_scoped3A, %mul3A_276] : memref<2x4096xi32, #tpu.memory_space<hbm>> -> memref<1x128xi32, #tpu.memory_space<hbm>>
      %dma_start3A_281 = tpu.memref_squeeze %dma_start3A : memref<1x128xi32, #tpu.memory_space<hbm>> -> memref<128xi32, #tpu.memory_space<hbm>>
      %dma_start3A_282 = tpu.memref_slice %arg3[%run_scoped3A, %mul3A_276] : memref<2x4096xi32, #tpu.memory_space<hbm>> -> memref<1x128xi32, #tpu.memory_space<hbm>>
      %dma_start3A_283 = tpu.memref_squeeze %dma_start3A_282 : memref<1x128xi32, #tpu.memory_space<hbm>> -> memref<128xi32, #tpu.memory_space<hbm>>
      tpu.enqueue_dma source(%arg6 : memref<128xi32, #tpu.memory_space<vmem>>) target(%dma_start3A_283 : memref<128xi32, #tpu.memory_space<hbm>>) target_semaphore(%run_scoped3A_280 : memref<!tpu.dma_semaphore, #tpu.memory_space<semaphore_mem>>)
      %dma_wait3A = tpu.memref_slice %arg3[%run_scoped3A, %mul3A_276] : memref<2x4096xi32, #tpu.memory_space<hbm>> -> memref<1x128xi32, #tpu.memory_space<hbm>>
      %dma_wait3A_284 = tpu.memref_squeeze %dma_wait3A : memref<1x128xi32, #tpu.memory_space<hbm>> -> memref<128xi32, #tpu.memory_space<hbm>>
      %dma_wait3A_285 = tpu.memref_slice %arg3[%run_scoped3A, %mul3A_276] : memref<2x4096xi32, #tpu.memory_space<hbm>> -> memref<1x128xi32, #tpu.memory_space<hbm>>
      %dma_wait3A_286 = tpu.memref_squeeze %dma_wait3A_285 : memref<1x128xi32, #tpu.memory_space<hbm>> -> memref<128xi32, #tpu.memory_space<hbm>>
      tpu.wait_dma2 semaphore(%run_scoped3A_280 : memref<!tpu.dma_semaphore, #tpu.memory_space<semaphore_mem>>) src(%arg6 : memref<128xi32, #tpu.memory_space<vmem>>) dst(%dma_wait3A_286 : memref<128xi32, #tpu.memory_space<hbm>>)
      tpu.yield
    }) : () -> ()
    %run_scoped3A_277 = arith.constant 1 : i32
    "tpu.region"() ({
      %run_scoped3A_280 = tpu.sem_alloc : memref<!tpu.dma_semaphore, #tpu.memory_space<semaphore_mem>>
      %dma_start3A = tpu.memref_slice %arg3[%run_scoped3A_277, %mul3A_276] : memref<2x4096xi32, #tpu.memory_space<hbm>> -> memref<1x128xi32, #tpu.memory_space<hbm>>
      %dma_start3A_281 = tpu.memref_squeeze %dma_start3A : memref<1x128xi32, #tpu.memory_space<hbm>> -> memref<128xi32, #tpu.memory_space<hbm>>
      %dma_start3A_282 = tpu.memref_slice %arg3[%run_scoped3A_277, %mul3A_276] : memref<2x4096xi32, #tpu.memory_space<hbm>> -> memref<1x128xi32, #tpu.memory_space<hbm>>
      %dma_start3A_283 = tpu.memref_squeeze %dma_start3A_282 : memref<1x128xi32, #tpu.memory_space<hbm>> -> memref<128xi32, #tpu.memory_space<hbm>>
      tpu.enqueue_dma source(%arg7 : memref<128xi32, #tpu.memory_space<vmem>>) target(%dma_start3A_283 : memref<128xi32, #tpu.memory_space<hbm>>) target_semaphore(%run_scoped3A_280 : memref<!tpu.dma_semaphore, #tpu.memory_space<semaphore_mem>>)
      %dma_wait3A = tpu.memref_slice %arg3[%run_scoped3A_277, %mul3A_276] : memref<2x4096xi32, #tpu.memory_space<hbm>> -> memref<1x128xi32, #tpu.memory_space<hbm>>
      %dma_wait3A_284 = tpu.memref_squeeze %dma_wait3A : memref<1x128xi32, #tpu.memory_space<hbm>> -> memref<128xi32, #tpu.memory_space<hbm>>
      %dma_wait3A_285 = tpu.memref_slice %arg3[%run_scoped3A_277, %mul3A_276] : memref<2x4096xi32, #tpu.memory_space<hbm>> -> memref<1x128xi32, #tpu.memory_space<hbm>>
      %dma_wait3A_286 = tpu.memref_squeeze %dma_wait3A_285 : memref<1x128xi32, #tpu.memory_space<hbm>> -> memref<128xi32, #tpu.memory_space<hbm>>
      tpu.wait_dma2 semaphore(%run_scoped3A_280 : memref<!tpu.dma_semaphore, #tpu.memory_space<semaphore_mem>>) src(%arg7 : memref<128xi32, #tpu.memory_space<vmem>>) dst(%dma_wait3A_286 : memref<128xi32, #tpu.memory_space<hbm>>)
      tpu.yield
    }) : () -> ()
    %run_scoped3A_278 = arith.constant 0 : i32
    "tpu.region"() ({
      %run_scoped3A_280 = tpu.sem_alloc : memref<!tpu.dma_semaphore, #tpu.memory_space<semaphore_mem>>
      %dma_start3A = tpu.memref_slice %arg4[%run_scoped3A_278, %mul3A_276] : memref<2x4096xf32, #tpu.memory_space<hbm>> -> memref<1x128xf32, #tpu.memory_space<hbm>>
      %dma_start3A_281 = tpu.memref_squeeze %dma_start3A : memref<1x128xf32, #tpu.memory_space<hbm>> -> memref<128xf32, #tpu.memory_space<hbm>>
      %dma_start3A_282 = tpu.memref_slice %arg4[%run_scoped3A_278, %mul3A_276] : memref<2x4096xf32, #tpu.memory_space<hbm>> -> memref<1x128xf32, #tpu.memory_space<hbm>>
      %dma_start3A_283 = tpu.memref_squeeze %dma_start3A_282 : memref<1x128xf32, #tpu.memory_space<hbm>> -> memref<128xf32, #tpu.memory_space<hbm>>
      tpu.enqueue_dma source(%arg8 : memref<128xf32, #tpu.memory_space<vmem>>) target(%dma_start3A_283 : memref<128xf32, #tpu.memory_space<hbm>>) target_semaphore(%run_scoped3A_280 : memref<!tpu.dma_semaphore, #tpu.memory_space<semaphore_mem>>)
      %dma_wait3A = tpu.memref_slice %arg4[%run_scoped3A_278, %mul3A_276] : memref<2x4096xf32, #tpu.memory_space<hbm>> -> memref<1x128xf32, #tpu.memory_space<hbm>>
      %dma_wait3A_284 = tpu.memref_squeeze %dma_wait3A : memref<1x128xf32, #tpu.memory_space<hbm>> -> memref<128xf32, #tpu.memory_space<hbm>>
      %dma_wait3A_285 = tpu.memref_slice %arg4[%run_scoped3A_278, %mul3A_276] : memref<2x4096xf32, #tpu.memory_space<hbm>> -> memref<1x128xf32, #tpu.memory_space<hbm>>
      %dma_wait3A_286 = tpu.memref_squeeze %dma_wait3A_285 : memref<1x128xf32, #tpu.memory_space<hbm>> -> memref<128xf32, #tpu.memory_space<hbm>>
      tpu.wait_dma2 semaphore(%run_scoped3A_280 : memref<!tpu.dma_semaphore, #tpu.memory_space<semaphore_mem>>) src(%arg8 : memref<128xf32, #tpu.memory_space<vmem>>) dst(%dma_wait3A_286 : memref<128xf32, #tpu.memory_space<hbm>>)
      tpu.yield
    }) : () -> ()
    %run_scoped3A_279 = arith.constant 1 : i32
    "tpu.region"() ({
      %run_scoped3A_280 = tpu.sem_alloc : memref<!tpu.dma_semaphore, #tpu.memory_space<semaphore_mem>>
      %dma_start3A = tpu.memref_slice %arg4[%run_scoped3A_279, %mul3A_276] : memref<2x4096xf32, #tpu.memory_space<hbm>> -> memref<1x128xf32, #tpu.memory_space<hbm>>
      %dma_start3A_281 = tpu.memref_squeeze %dma_start3A : memref<1x128xf32, #tpu.memory_space<hbm>> -> memref<128xf32, #tpu.memory_space<hbm>>
      %dma_start3A_282 = tpu.memref_slice %arg4[%run_scoped3A_279, %mul3A_276] : memref<2x4096xf32, #tpu.memory_space<hbm>> -> memref<1x128xf32, #tpu.memory_space<hbm>>
      %dma_start3A_283 = tpu.memref_squeeze %dma_start3A_282 : memref<1x128xf32, #tpu.memory_space<hbm>> -> memref<128xf32, #tpu.memory_space<hbm>>
      tpu.enqueue_dma source(%arg9 : memref<128xf32, #tpu.memory_space<vmem>>) target(%dma_start3A_283 : memref<128xf32, #tpu.memory_space<hbm>>) target_semaphore(%run_scoped3A_280 : memref<!tpu.dma_semaphore, #tpu.memory_space<semaphore_mem>>)
      %dma_wait3A = tpu.memref_slice %arg4[%run_scoped3A_279, %mul3A_276] : memref<2x4096xf32, #tpu.memory_space<hbm>> -> memref<1x128xf32, #tpu.memory_space<hbm>>
      %dma_wait3A_284 = tpu.memref_squeeze %dma_wait3A : memref<1x128xf32, #tpu.memory_space<hbm>> -> memref<128xf32, #tpu.memory_space<hbm>>
      %dma_wait3A_285 = tpu.memref_slice %arg4[%run_scoped3A_279, %mul3A_276] : memref<2x4096xf32, #tpu.memory_space<hbm>> -> memref<1x128xf32, #tpu.memory_space<hbm>>
      %dma_wait3A_286 = tpu.memref_squeeze %dma_wait3A_285 : memref<1x128xf32, #tpu.memory_space<hbm>> -> memref<128xf32, #tpu.memory_space<hbm>>
      tpu.wait_dma2 semaphore(%run_scoped3A_280 : memref<!tpu.dma_semaphore, #tpu.memory_space<semaphore_mem>>) src(%arg9 : memref<128xf32, #tpu.memory_space<vmem>>) dst(%dma_wait3A_286 : memref<128xf32, #tpu.memory_space<hbm>>)
      tpu.yield
    }) : () -> ()
    return
  }
}

#map = affine_map<(d0, d1) -> (0, 0, 0)>
#map1 = affine_map<(d0, d1) -> (0, 0)>
module attributes {stable_mosaic.version = 14 : i64} {
  func.func @_route(%arg0: i32, %arg1: i32, %arg2: memref<32x64x128xf32, #tpu.memory_space<hbm>>, %arg3: memref<2x4096xi32, #tpu.memory_space<hbm>>, %arg4: memref<2x4096xf32, #tpu.memory_space<hbm>>, %arg5: memref<64x128xf32, #tpu.memory_space<vmem>>, %arg6: memref<128xi32, #tpu.memory_space<vmem>>, %arg7: memref<128xi32, #tpu.memory_space<vmem>>, %arg8: memref<128xf32, #tpu.memory_space<vmem>>, %arg9: memref<128xf32, #tpu.memory_space<vmem>>) attributes {dimension_semantics = [#tpu.dimension_semantics<core_parallel>, #tpu.dimension_semantics<subcore_parallel>], iteration_bounds = array<i64: 2, 16>, scalar_prefetch = 0 : i64, scratch_operands = 5 : i64, tpu.core_type = #tpu.core_type<sc_vector_subcore>, window_params = [{transform_indices = #map}, {transform_indices = #map1}, {transform_indices = #map1}]} {
    %mul3A = arith.constant 2 : i32
    %mul3A_0 = arith.muli %arg1, %mul3A : i32
    %add3A = arith.addi %mul3A_0, %arg0 : i32
    "tpu.region"() ({
      %run_scoped3A_280 = tpu.sem_alloc : memref<!tpu.dma_semaphore, #tpu.memory_space<semaphore_mem>>
      %dma_start3A = arith.constant 0 : i32
      %dma_start3A_281 = arith.constant 0 : i32
      %dma_start3A_282 = tpu.memref_slice %arg2[%add3A, %dma_start3A, %dma_start3A_281] : memref<32x64x128xf32, #tpu.memory_space<hbm>> -> memref<1x64x128xf32, #tpu.memory_space<hbm>>
      %dma_start3A_283 = tpu.memref_squeeze %dma_start3A_282 : memref<1x64x128xf32, #tpu.memory_space<hbm>> -> memref<64x128xf32, #tpu.memory_space<hbm>>
      %dma_start3A_284 = arith.constant 0 : i32
      %dma_start3A_285 = arith.constant 0 : i32
      %dma_start3A_286 = tpu.memref_slice %arg2[%add3A, %dma_start3A_284, %dma_start3A_285] : memref<32x64x128xf32, #tpu.memory_space<hbm>> -> memref<1x64x128xf32, #tpu.memory_space<hbm>>
      %dma_start3A_287 = tpu.memref_squeeze %dma_start3A_286 : memref<1x64x128xf32, #tpu.memory_space<hbm>> -> memref<64x128xf32, #tpu.memory_space<hbm>>
      tpu.enqueue_dma source(%dma_start3A_287 : memref<64x128xf32, #tpu.memory_space<hbm>>) target(%arg5 : memref<64x128xf32, #tpu.memory_space<vmem>>) target_semaphore(%run_scoped3A_280 : memref<!tpu.dma_semaphore, #tpu.memory_space<semaphore_mem>>)
      %dma_wait3A = arith.constant 0 : i32
      %dma_wait3A_288 = arith.constant 0 : i32
      %dma_wait3A_289 = tpu.memref_slice %arg2[%add3A, %dma_wait3A, %dma_wait3A_288] : memref<32x64x128xf32, #tpu.memory_space<hbm>> -> memref<1x64x128xf32, #tpu.memory_space<hbm>>
      %dma_wait3A_290 = tpu.memref_squeeze %dma_wait3A_289 : memref<1x64x128xf32, #tpu.memory_space<hbm>> -> memref<64x128xf32, #tpu.memory_space<hbm>>
      %dma_wait3A_291 = arith.constant 0 : i32
      %dma_wait3A_292 = arith.constant 0 : i32
      %dma_wait3A_293 = tpu.memref_slice %arg2[%add3A, %dma_wait3A_291, %dma_wait3A_292] : memref<32x64x128xf32, #tpu.memory_space<hbm>> -> memref<1x64x128xf32, #tpu.memory_space<hbm>>
      %dma_wait3A_294 = tpu.memref_squeeze %dma_wait3A_293 : memref<1x64x128xf32, #tpu.memory_space<hbm>> -> memref<64x128xf32, #tpu.memory_space<hbm>>
      tpu.wait_dma2 semaphore(%run_scoped3A_280 : memref<!tpu.dma_semaphore, #tpu.memory_space<semaphore_mem>>) src(%dma_wait3A_294 : memref<64x128xf32, #tpu.memory_space<hbm>>) dst(%arg5 : memref<64x128xf32, #tpu.memory_space<vmem>>)
      tpu.yield
    }) : () -> ()
    %broadcast_in_dim3A = arith.constant -3.000000e+38 : f32
    %broadcast_in_dim3A_1 = vector.broadcast %broadcast_in_dim3A : f32 to vector<16xf32>
    %broadcast_in_dim3A_2 = arith.constant 0 : i32
    %broadcast_in_dim3A_3 = vector.broadcast %broadcast_in_dim3A_2 : i32 to vector<16xi32>
    %scan3A = arith.constant 0 : i32
    %scan3A_4 = arith.constant 64 : i32
    %scan3A_5 = arith.addi %scan3A, %scan3A_4 : i32
    %scan3A_6 = arith.constant 1 : i32
    %scan3A_7:4 = scf.for %scan3A_280 = %scan3A to %scan3A_5 step %scan3A_6 iter_args(%scan3A_281 = %broadcast_in_dim3A_1, %scan3A_282 = %broadcast_in_dim3A_3, %scan3A_283 = %broadcast_in_dim3A_1, %scan3A_284 = %broadcast_in_dim3A_3) -> (vector<16xf32>, vector<16xi32>, vector<16xf32>, vector<16xi32>)  : i32 {
      %get3A = arith.index_cast %scan3A_280 : i32 to index
      %get3A_285 = arith.constant 0 : index
      %get3A_286 = tpu.vector_load %arg5[%get3A, %get3A_285] {strides = array<i32>} : memref<64x128xf32, #tpu.memory_space<vmem>>, vector<1x16xf32>,
      %get3A_287 = vector.shape_cast %get3A_286 : vector<1x16xf32> to vector<16xf32>
      %broadcast_in_dim3A_288 = arith.constant 0 : i32
      %broadcast_in_dim3A_289 = vector.broadcast %broadcast_in_dim3A_288 : i32 to vector<16xi32>
      %add3A_290 = vector.broadcast %scan3A_280 : i32 to vector<16xi32>
      %add3A_291 = arith.addi %broadcast_in_dim3A_289, %add3A_290 : vector<16xi32>
      %gt3A = arith.cmpf ogt, %get3A_287, %scan3A_283 : vector<16xf32>
      %select_n3A = arith.select %gt3A, %get3A_287, %scan3A_283 : vector<16xi1>, vector<16xf32>
      %select_n3A_292 = arith.select %gt3A, %add3A_291, %scan3A_284 : vector<16xi1>, vector<16xi32>
      %gt3A_293 = arith.cmpf ogt, %get3A_287, %scan3A_281 : vector<16xf32>
      %select_n3A_294 = arith.select %gt3A_293, %scan3A_281, %select_n3A : vector<16xi1>, vector<16xf32>
      %select_n3A_295 = arith.select %gt3A_293, %scan3A_282, %select_n3A_292 : vector<16xi1>, vector<16xi32>
      %select_n3A_296 = arith.select %gt3A_293, %get3A_287, %scan3A_281 : vector<16xi1>, vector<16xf32>
      %select_n3A_297 = arith.select %gt3A_293, %add3A_291, %scan3A_282 : vector<16xi1>, vector<16xi32>
      scf.yield %select_n3A_296, %select_n3A_297, %select_n3A_294, %select_n3A_295 : vector<16xf32>, vector<16xi32>, vector<16xf32>, vector<16xi32>
    }
    %scan3A_8 = arith.constant 64 : i32
    %sub3A = arith.subf %scan3A_7#2, %scan3A_7#0 : vector<16xf32>
    %exp3A = math.exp %sub3A : vector<16xf32>
    %add3A_9 = arith.constant 1.000000e+00 : f32
    %add3A_10 = vector.broadcast %add3A_9 : f32 to vector<16xf32>
    %add3A_11 = arith.addf %add3A_10, %exp3A : vector<16xf32>
    %swap3A = arith.constant 0 : index
    %swap3A_12 = tpu.vector_load %arg6[%swap3A] {strides = array<i32>} : memref<128xi32, #tpu.memory_space<vmem>>, vector<16xi32>,
    %swap3A_13 = vector.shape_cast %swap3A_12 : vector<16xi32> to vector<16xi32>
    %swap3A_14 = vector.shape_cast %scan3A_7#1 : vector<16xi32> to vector<16xi32>
    tpu.vector_store %arg6[%swap3A], %swap3A_14 {strides = array<i32>} : memref<128xi32, #tpu.memory_space<vmem>>, vector<16xi32>,
    %swap3A_15 = arith.constant 0 : index
    %swap3A_16 = tpu.vector_load %arg7[%swap3A_15] {strides = array<i32>} : memref<128xi32, #tpu.memory_space<vmem>>, vector<16xi32>,
    %swap3A_17 = vector.shape_cast %swap3A_16 : vector<16xi32> to vector<16xi32>
    %swap3A_18 = vector.shape_cast %scan3A_7#3 : vector<16xi32> to vector<16xi32>
    tpu.vector_store %arg7[%swap3A_15], %swap3A_18 {strides = array<i32>} : memref<128xi32, #tpu.memory_space<vmem>>, vector<16xi32>,
    %div3A = arith.constant 1.000000e+00 : f32
    %div3A_19 = vector.broadcast %div3A : f32 to vector<16xf32>
    %div3A_20 = arith.divf %div3A_19, %add3A_11 : vector<16xf32>
    %swap3A_21 = arith.constant 0 : index
    %swap3A_22 = tpu.vector_load %arg8[%swap3A_21] {strides = array<i32>} : memref<128xf32, #tpu.memory_space<vmem>>, vector<16xf32>,
    %swap3A_23 = vector.shape_cast %swap3A_22 : vector<16xf32> to vector<16xf32>
    %swap3A_24 = vector.shape_cast %div3A_20 : vector<16xf32> to vector<16xf32>
    tpu.vector_store %arg8[%swap3A_21], %swap3A_24 {strides = array<i32>} : memref<128xf32, #tpu.memory_space<vmem>>, vector<16xf32>,
    %div3A_25 = arith.divf %exp3A, %add3A_11 : vector<16xf32>
    %swap3A_26 = arith.constant 0 : index
    %swap3A_27 = tpu.vector_load %arg9[%swap3A_26] {strides = array<i32>} : memref<128xf32, #tpu.memory_space<vmem>>, vector<16xf32>,
    %swap3A_28 = vector.shape_cast %swap3A_27 : vector<16xf32> to vector<16xf32>
    %swap3A_29 = vector.shape_cast %div3A_25 : vector<16xf32> to vector<16xf32>
    tpu.vector_store %arg9[%swap3A_26], %swap3A_29 {strides = array<i32>} : memref<128xf32, #tpu.memory_space<vmem>>, vector<16xf32>,
    %broadcast_in_dim3A_30 = arith.constant -3.000000e+38 : f32
    %broadcast_in_dim3A_31 = vector.broadcast %broadcast_in_dim3A_30 : f32 to vector<16xf32>
    %broadcast_in_dim3A_32 = arith.constant 0 : i32
    %broadcast_in_dim3A_33 = vector.broadcast %broadcast_in_dim3A_32 : i32 to vector<16xi32>
    %scan3A_34 = arith.constant 0 : i32
    %scan3A_35 = arith.constant 64 : i32
    %scan3A_36 = arith.addi %scan3A_34, %scan3A_35 : i32
    %scan3A_37 = arith.constant 1 : i32
    %scan3A_38:4 = scf.for %scan3A_280 = %scan3A_34 to %scan3A_36 step %scan3A_37 iter_args(%scan3A_281 = %broadcast_in_dim3A_31, %scan3A_282 = %broadcast_in_dim3A_33, %scan3A_283 = %broadcast_in_dim3A_31, %scan3A_284 = %broadcast_in_dim3A_33) -> (vector<16xf32>, vector<16xi32>, vector<16xf32>, vector<16xi32>)  : i32 {
      %get3A = arith.index_cast %scan3A_280 : i32 to index
      %get3A_285 = arith.constant 16 : index
      %get3A_286 = tpu.vector_load %arg5[%get3A, %get3A_285] {strides = array<i32>} : memref<64x128xf32, #tpu.memory_space<vmem>>, vector<1x16xf32>,
      %get3A_287 = vector.shape_cast %get3A_286 : vector<1x16xf32> to vector<16xf32>
      %broadcast_in_dim3A_288 = arith.constant 0 : i32
      %broadcast_in_dim3A_289 = vector.broadcast %broadcast_in_dim3A_288 : i32 to vector<16xi32>
      %add3A_290 = vector.broadcast %scan3A_280 : i32 to vector<16xi32>
      %add3A_291 = arith.addi %broadcast_in_dim3A_289, %add3A_290 : vector<16xi32>
      %gt3A = arith.cmpf ogt, %get3A_287, %scan3A_283 : vector<16xf32>
      %select_n3A = arith.select %gt3A, %get3A_287, %scan3A_283 : vector<16xi1>, vector<16xf32>
      %select_n3A_292 = arith.select %gt3A, %add3A_291, %scan3A_284 : vector<16xi1>, vector<16xi32>
      %gt3A_293 = arith.cmpf ogt, %get3A_287, %scan3A_281 : vector<16xf32>
      %select_n3A_294 = arith.select %gt3A_293, %scan3A_281, %select_n3A : vector<16xi1>, vector<16xf32>
      %select_n3A_295 = arith.select %gt3A_293, %scan3A_282, %select_n3A_292 : vector<16xi1>, vector<16xi32>
      %select_n3A_296 = arith.select %gt3A_293, %get3A_287, %scan3A_281 : vector<16xi1>, vector<16xf32>
      %select_n3A_297 = arith.select %gt3A_293, %add3A_291, %scan3A_282 : vector<16xi1>, vector<16xi32>
      scf.yield %select_n3A_296, %select_n3A_297, %select_n3A_294, %select_n3A_295 : vector<16xf32>, vector<16xi32>, vector<16xf32>, vector<16xi32>
    }
    %scan3A_39 = arith.constant 64 : i32
    %sub3A_40 = arith.subf %scan3A_38#2, %scan3A_38#0 : vector<16xf32>
    %exp3A_41 = math.exp %sub3A_40 : vector<16xf32>
    %add3A_42 = arith.constant 1.000000e+00 : f32
    %add3A_43 = vector.broadcast %add3A_42 : f32 to vector<16xf32>
    %add3A_44 = arith.addf %add3A_43, %exp3A_41 : vector<16xf32>
    %swap3A_45 = arith.constant 16 : index
    %swap3A_46 = tpu.vector_load %arg6[%swap3A_45] {strides = array<i32>} : memref<128xi32, #tpu.memory_space<vmem>>, vector<16xi32>,
    %swap3A_47 = vector.shape_cast %swap3A_46 : vector<16xi32> to vector<16xi32>
    %swap3A_48 = vector.shape_cast %scan3A_38#1 : vector<16xi32> to vector<16xi32>
    tpu.vector_store %arg6[%swap3A_45], %swap3A_48 {strides = array<i32>} : memref<128xi32, #tpu.memory_space<vmem>>, vector<16xi32>,
    %swap3A_49 = arith.constant 16 : index
    %swap3A_50 = tpu.vector_load %arg7[%swap3A_49] {strides = array<i32>} : memref<128xi32, #tpu.memory_space<vmem>>, vector<16xi32>,
    %swap3A_51 = vector.shape_cast %swap3A_50 : vector<16xi32> to vector<16xi32>
    %swap3A_52 = vector.shape_cast %scan3A_38#3 : vector<16xi32> to vector<16xi32>
    tpu.vector_store %arg7[%swap3A_49], %swap3A_52 {strides = array<i32>} : memref<128xi32, #tpu.memory_space<vmem>>, vector<16xi32>,
    %div3A_53 = arith.constant 1.000000e+00 : f32
    %div3A_54 = vector.broadcast %div3A_53 : f32 to vector<16xf32>
    %div3A_55 = arith.divf %div3A_54, %add3A_44 : vector<16xf32>
    %swap3A_56 = arith.constant 16 : index
    %swap3A_57 = tpu.vector_load %arg8[%swap3A_56] {strides = array<i32>} : memref<128xf32, #tpu.memory_space<vmem>>, vector<16xf32>,
    %swap3A_58 = vector.shape_cast %swap3A_57 : vector<16xf32> to vector<16xf32>
    %swap3A_59 = vector.shape_cast %div3A_55 : vector<16xf32> to vector<16xf32>
    tpu.vector_store %arg8[%swap3A_56], %swap3A_59 {strides = array<i32>} : memref<128xf32, #tpu.memory_space<vmem>>, vector<16xf32>,
    %div3A_60 = arith.divf %exp3A_41, %add3A_44 : vector<16xf32>
    %swap3A_61 = arith.constant 16 : index
    %swap3A_62 = tpu.vector_load %arg9[%swap3A_61] {strides = array<i32>} : memref<128xf32, #tpu.memory_space<vmem>>, vector<16xf32>,
    %swap3A_63 = vector.shape_cast %swap3A_62 : vector<16xf32> to vector<16xf32>
    %swap3A_64 = vector.shape_cast %div3A_60 : vector<16xf32> to vector<16xf32>
    tpu.vector_store %arg9[%swap3A_61], %swap3A_64 {strides = array<i32>} : memref<128xf32, #tpu.memory_space<vmem>>, vector<16xf32>,
    %broadcast_in_dim3A_65 = arith.constant -3.000000e+38 : f32
    %broadcast_in_dim3A_66 = vector.broadcast %broadcast_in_dim3A_65 : f32 to vector<16xf32>
    %broadcast_in_dim3A_67 = arith.constant 0 : i32
    %broadcast_in_dim3A_68 = vector.broadcast %broadcast_in_dim3A_67 : i32 to vector<16xi32>
    %scan3A_69 = arith.constant 0 : i32
    %scan3A_70 = arith.constant 64 : i32
    %scan3A_71 = arith.addi %scan3A_69, %scan3A_70 : i32
    %scan3A_72 = arith.constant 1 : i32
    %scan3A_73:4 = scf.for %scan3A_280 = %scan3A_69 to %scan3A_71 step %scan3A_72 iter_args(%scan3A_281 = %broadcast_in_dim3A_66, %scan3A_282 = %broadcast_in_dim3A_68, %scan3A_283 = %broadcast_in_dim3A_66, %scan3A_284 = %broadcast_in_dim3A_68) -> (vector<16xf32>, vector<16xi32>, vector<16xf32>, vector<16xi32>)  : i32 {
      %get3A = arith.index_cast %scan3A_280 : i32 to index
      %get3A_285 = arith.constant 32 : index
      %get3A_286 = tpu.vector_load %arg5[%get3A, %get3A_285] {strides = array<i32>} : memref<64x128xf32, #tpu.memory_space<vmem>>, vector<1x16xf32>,
      %get3A_287 = vector.shape_cast %get3A_286 : vector<1x16xf32> to vector<16xf32>
      %broadcast_in_dim3A_288 = arith.constant 0 : i32
      %broadcast_in_dim3A_289 = vector.broadcast %broadcast_in_dim3A_288 : i32 to vector<16xi32>
      %add3A_290 = vector.broadcast %scan3A_280 : i32 to vector<16xi32>
      %add3A_291 = arith.addi %broadcast_in_dim3A_289, %add3A_290 : vector<16xi32>
      %gt3A = arith.cmpf ogt, %get3A_287, %scan3A_283 : vector<16xf32>
      %select_n3A = arith.select %gt3A, %get3A_287, %scan3A_283 : vector<16xi1>, vector<16xf32>
      %select_n3A_292 = arith.select %gt3A, %add3A_291, %scan3A_284 : vector<16xi1>, vector<16xi32>
      %gt3A_293 = arith.cmpf ogt, %get3A_287, %scan3A_281 : vector<16xf32>
      %select_n3A_294 = arith.select %gt3A_293, %scan3A_281, %select_n3A : vector<16xi1>, vector<16xf32>
      %select_n3A_295 = arith.select %gt3A_293, %scan3A_282, %select_n3A_292 : vector<16xi1>, vector<16xi32>
      %select_n3A_296 = arith.select %gt3A_293, %get3A_287, %scan3A_281 : vector<16xi1>, vector<16xf32>
      %select_n3A_297 = arith.select %gt3A_293, %add3A_291, %scan3A_282 : vector<16xi1>, vector<16xi32>
      scf.yield %select_n3A_296, %select_n3A_297, %select_n3A_294, %select_n3A_295 : vector<16xf32>, vector<16xi32>, vector<16xf32>, vector<16xi32>
    }
    %scan3A_74 = arith.constant 64 : i32
    %sub3A_75 = arith.subf %scan3A_73#2, %scan3A_73#0 : vector<16xf32>
    %exp3A_76 = math.exp %sub3A_75 : vector<16xf32>
    %add3A_77 = arith.constant 1.000000e+00 : f32
    %add3A_78 = vector.broadcast %add3A_77 : f32 to vector<16xf32>
    %add3A_79 = arith.addf %add3A_78, %exp3A_76 : vector<16xf32>
    %swap3A_80 = arith.constant 32 : index
    %swap3A_81 = tpu.vector_load %arg6[%swap3A_80] {strides = array<i32>} : memref<128xi32, #tpu.memory_space<vmem>>, vector<16xi32>,
    %swap3A_82 = vector.shape_cast %swap3A_81 : vector<16xi32> to vector<16xi32>
    %swap3A_83 = vector.shape_cast %scan3A_73#1 : vector<16xi32> to vector<16xi32>
    tpu.vector_store %arg6[%swap3A_80], %swap3A_83 {strides = array<i32>} : memref<128xi32, #tpu.memory_space<vmem>>, vector<16xi32>,
    %swap3A_84 = arith.constant 32 : index
    %swap3A_85 = tpu.vector_load %arg7[%swap3A_84] {strides = array<i32>} : memref<128xi32, #tpu.memory_space<vmem>>, vector<16xi32>,
    %swap3A_86 = vector.shape_cast %swap3A_85 : vector<16xi32> to vector<16xi32>
    %swap3A_87 = vector.shape_cast %scan3A_73#3 : vector<16xi32> to vector<16xi32>
    tpu.vector_store %arg7[%swap3A_84], %swap3A_87 {strides = array<i32>} : memref<128xi32, #tpu.memory_space<vmem>>, vector<16xi32>,
    %div3A_88 = arith.constant 1.000000e+00 : f32
    %div3A_89 = vector.broadcast %div3A_88 : f32 to vector<16xf32>
    %div3A_90 = arith.divf %div3A_89, %add3A_79 : vector<16xf32>
    %swap3A_91 = arith.constant 32 : index
    %swap3A_92 = tpu.vector_load %arg8[%swap3A_91] {strides = array<i32>} : memref<128xf32, #tpu.memory_space<vmem>>, vector<16xf32>,
    %swap3A_93 = vector.shape_cast %swap3A_92 : vector<16xf32> to vector<16xf32>
    %swap3A_94 = vector.shape_cast %div3A_90 : vector<16xf32> to vector<16xf32>
    tpu.vector_store %arg8[%swap3A_91], %swap3A_94 {strides = array<i32>} : memref<128xf32, #tpu.memory_space<vmem>>, vector<16xf32>,
    %div3A_95 = arith.divf %exp3A_76, %add3A_79 : vector<16xf32>
    %swap3A_96 = arith.constant 32 : index
    %swap3A_97 = tpu.vector_load %arg9[%swap3A_96] {strides = array<i32>} : memref<128xf32, #tpu.memory_space<vmem>>, vector<16xf32>,
    %swap3A_98 = vector.shape_cast %swap3A_97 : vector<16xf32> to vector<16xf32>
    %swap3A_99 = vector.shape_cast %div3A_95 : vector<16xf32> to vector<16xf32>
    tpu.vector_store %arg9[%swap3A_96], %swap3A_99 {strides = array<i32>} : memref<128xf32, #tpu.memory_space<vmem>>, vector<16xf32>,
    %broadcast_in_dim3A_100 = arith.constant -3.000000e+38 : f32
    %broadcast_in_dim3A_101 = vector.broadcast %broadcast_in_dim3A_100 : f32 to vector<16xf32>
    %broadcast_in_dim3A_102 = arith.constant 0 : i32
    %broadcast_in_dim3A_103 = vector.broadcast %broadcast_in_dim3A_102 : i32 to vector<16xi32>
    %scan3A_104 = arith.constant 0 : i32
    %scan3A_105 = arith.constant 64 : i32
    %scan3A_106 = arith.addi %scan3A_104, %scan3A_105 : i32
    %scan3A_107 = arith.constant 1 : i32
    %scan3A_108:4 = scf.for %scan3A_280 = %scan3A_104 to %scan3A_106 step %scan3A_107 iter_args(%scan3A_281 = %broadcast_in_dim3A_101, %scan3A_282 = %broadcast_in_dim3A_103, %scan3A_283 = %broadcast_in_dim3A_101, %scan3A_284 = %broadcast_in_dim3A_103) -> (vector<16xf32>, vector<16xi32>, vector<16xf32>, vector<16xi32>)  : i32 {
      %get3A = arith.index_cast %scan3A_280 : i32 to index
      %get3A_285 = arith.constant 48 : index
      %get3A_286 = tpu.vector_load %arg5[%get3A, %get3A_285] {strides = array<i32>} : memref<64x128xf32, #tpu.memory_space<vmem>>, vector<1x16xf32>,
      %get3A_287 = vector.shape_cast %get3A_286 : vector<1x16xf32> to vector<16xf32>
      %broadcast_in_dim3A_288 = arith.constant 0 : i32
      %broadcast_in_dim3A_289 = vector.broadcast %broadcast_in_dim3A_288 : i32 to vector<16xi32>
      %add3A_290 = vector.broadcast %scan3A_280 : i32 to vector<16xi32>
      %add3A_291 = arith.addi %broadcast_in_dim3A_289, %add3A_290 : vector<16xi32>
      %gt3A = arith.cmpf ogt, %get3A_287, %scan3A_283 : vector<16xf32>
      %select_n3A = arith.select %gt3A, %get3A_287, %scan3A_283 : vector<16xi1>, vector<16xf32>
      %select_n3A_292 = arith.select %gt3A, %add3A_291, %scan3A_284 : vector<16xi1>, vector<16xi32>
      %gt3A_293 = arith.cmpf ogt, %get3A_287, %scan3A_281 : vector<16xf32>
      %select_n3A_294 = arith.select %gt3A_293, %scan3A_281, %select_n3A : vector<16xi1>, vector<16xf32>
      %select_n3A_295 = arith.select %gt3A_293, %scan3A_282, %select_n3A_292 : vector<16xi1>, vector<16xi32>
      %select_n3A_296 = arith.select %gt3A_293, %get3A_287, %scan3A_281 : vector<16xi1>, vector<16xf32>
      %select_n3A_297 = arith.select %gt3A_293, %add3A_291, %scan3A_282 : vector<16xi1>, vector<16xi32>
      scf.yield %select_n3A_296, %select_n3A_297, %select_n3A_294, %select_n3A_295 : vector<16xf32>, vector<16xi32>, vector<16xf32>, vector<16xi32>
    }
    %scan3A_109 = arith.constant 64 : i32
    %sub3A_110 = arith.subf %scan3A_108#2, %scan3A_108#0 : vector<16xf32>
    %exp3A_111 = math.exp %sub3A_110 : vector<16xf32>
    %add3A_112 = arith.constant 1.000000e+00 : f32
    %add3A_113 = vector.broadcast %add3A_112 : f32 to vector<16xf32>
    %add3A_114 = arith.addf %add3A_113, %exp3A_111 : vector<16xf32>
    %swap3A_115 = arith.constant 48 : index
    %swap3A_116 = tpu.vector_load %arg6[%swap3A_115] {strides = array<i32>} : memref<128xi32, #tpu.memory_space<vmem>>, vector<16xi32>,
    %swap3A_117 = vector.shape_cast %swap3A_116 : vector<16xi32> to vector<16xi32>
    %swap3A_118 = vector.shape_cast %scan3A_108#1 : vector<16xi32> to vector<16xi32>
    tpu.vector_store %arg6[%swap3A_115], %swap3A_118 {strides = array<i32>} : memref<128xi32, #tpu.memory_space<vmem>>, vector<16xi32>,
    %swap3A_119 = arith.constant 48 : index
    %swap3A_120 = tpu.vector_load %arg7[%swap3A_119] {strides = array<i32>} : memref<128xi32, #tpu.memory_space<vmem>>, vector<16xi32>,
    %swap3A_121 = vector.shape_cast %swap3A_120 : vector<16xi32> to vector<16xi32>
    %swap3A_122 = vector.shape_cast %scan3A_108#3 : vector<16xi32> to vector<16xi32>
    tpu.vector_store %arg7[%swap3A_119], %swap3A_122 {strides = array<i32>} : memref<128xi32, #tpu.memory_space<vmem>>, vector<16xi32>,
    %div3A_123 = arith.constant 1.000000e+00 : f32
    %div3A_124 = vector.broadcast %div3A_123 : f32 to vector<16xf32>
    %div3A_125 = arith.divf %div3A_124, %add3A_114 : vector<16xf32>
    %swap3A_126 = arith.constant 48 : index
    %swap3A_127 = tpu.vector_load %arg8[%swap3A_126] {strides = array<i32>} : memref<128xf32, #tpu.memory_space<vmem>>, vector<16xf32>,
    %swap3A_128 = vector.shape_cast %swap3A_127 : vector<16xf32> to vector<16xf32>
    %swap3A_129 = vector.shape_cast %div3A_125 : vector<16xf32> to vector<16xf32>
    tpu.vector_store %arg8[%swap3A_126], %swap3A_129 {strides = array<i32>} : memref<128xf32, #tpu.memory_space<vmem>>, vector<16xf32>,
    %div3A_130 = arith.divf %exp3A_111, %add3A_114 : vector<16xf32>
    %swap3A_131 = arith.constant 48 : index
    %swap3A_132 = tpu.vector_load %arg9[%swap3A_131] {strides = array<i32>} : memref<128xf32, #tpu.memory_space<vmem>>, vector<16xf32>,
    %swap3A_133 = vector.shape_cast %swap3A_132 : vector<16xf32> to vector<16xf32>
    %swap3A_134 = vector.shape_cast %div3A_130 : vector<16xf32> to vector<16xf32>
    tpu.vector_store %arg9[%swap3A_131], %swap3A_134 {strides = array<i32>} : memref<128xf32, #tpu.memory_space<vmem>>, vector<16xf32>,
    %broadcast_in_dim3A_135 = arith.constant -3.000000e+38 : f32
    %broadcast_in_dim3A_136 = vector.broadcast %broadcast_in_dim3A_135 : f32 to vector<16xf32>
    %broadcast_in_dim3A_137 = arith.constant 0 : i32
    %broadcast_in_dim3A_138 = vector.broadcast %broadcast_in_dim3A_137 : i32 to vector<16xi32>
    %scan3A_139 = arith.constant 0 : i32
    %scan3A_140 = arith.constant 64 : i32
    %scan3A_141 = arith.addi %scan3A_139, %scan3A_140 : i32
    %scan3A_142 = arith.constant 1 : i32
    %scan3A_143:4 = scf.for %scan3A_280 = %scan3A_139 to %scan3A_141 step %scan3A_142 iter_args(%scan3A_281 = %broadcast_in_dim3A_136, %scan3A_282 = %broadcast_in_dim3A_138, %scan3A_283 = %broadcast_in_dim3A_136, %scan3A_284 = %broadcast_in_dim3A_138) -> (vector<16xf32>, vector<16xi32>, vector<16xf32>, vector<16xi32>)  : i32 {
      %get3A = arith.index_cast %scan3A_280 : i32 to index
      %get3A_285 = arith.constant 64 : index
      %get3A_286 = tpu.vector_load %arg5[%get3A, %get3A_285] {strides = array<i32>} : memref<64x128xf32, #tpu.memory_space<vmem>>, vector<1x16xf32>,
      %get3A_287 = vector.shape_cast %get3A_286 : vector<1x16xf32> to vector<16xf32>
      %broadcast_in_dim3A_288 = arith.constant 0 : i32
      %broadcast_in_dim3A_289 = vector.broadcast %broadcast_in_dim3A_288 : i32 to vector<16xi32>
      %add3A_290 = vector.broadcast %scan3A_280 : i32 to vector<16xi32>
      %add3A_291 = arith.addi %broadcast_in_dim3A_289, %add3A_290 : vector<16xi32>
      %gt3A = arith.cmpf ogt, %get3A_287, %scan3A_283 : vector<16xf32>
      %select_n3A = arith.select %gt3A, %get3A_287, %scan3A_283 : vector<16xi1>, vector<16xf32>
      %select_n3A_292 = arith.select %gt3A, %add3A_291, %scan3A_284 : vector<16xi1>, vector<16xi32>
      %gt3A_293 = arith.cmpf ogt, %get3A_287, %scan3A_281 : vector<16xf32>
      %select_n3A_294 = arith.select %gt3A_293, %scan3A_281, %select_n3A : vector<16xi1>, vector<16xf32>
      %select_n3A_295 = arith.select %gt3A_293, %scan3A_282, %select_n3A_292 : vector<16xi1>, vector<16xi32>
      %select_n3A_296 = arith.select %gt3A_293, %get3A_287, %scan3A_281 : vector<16xi1>, vector<16xf32>
      %select_n3A_297 = arith.select %gt3A_293, %add3A_291, %scan3A_282 : vector<16xi1>, vector<16xi32>
      scf.yield %select_n3A_296, %select_n3A_297, %select_n3A_294, %select_n3A_295 : vector<16xf32>, vector<16xi32>, vector<16xf32>, vector<16xi32>
    }
    %scan3A_144 = arith.constant 64 : i32
    %sub3A_145 = arith.subf %scan3A_143#2, %scan3A_143#0 : vector<16xf32>
    %exp3A_146 = math.exp %sub3A_145 : vector<16xf32>
    %add3A_147 = arith.constant 1.000000e+00 : f32
    %add3A_148 = vector.broadcast %add3A_147 : f32 to vector<16xf32>
    %add3A_149 = arith.addf %add3A_148, %exp3A_146 : vector<16xf32>
    %swap3A_150 = arith.constant 64 : index
    %swap3A_151 = tpu.vector_load %arg6[%swap3A_150] {strides = array<i32>} : memref<128xi32, #tpu.memory_space<vmem>>, vector<16xi32>,
    %swap3A_152 = vector.shape_cast %swap3A_151 : vector<16xi32> to vector<16xi32>
    %swap3A_153 = vector.shape_cast %scan3A_143#1 : vector<16xi32> to vector<16xi32>
    tpu.vector_store %arg6[%swap3A_150], %swap3A_153 {strides = array<i32>} : memref<128xi32, #tpu.memory_space<vmem>>, vector<16xi32>,
    %swap3A_154 = arith.constant 64 : index
    %swap3A_155 = tpu.vector_load %arg7[%swap3A_154] {strides = array<i32>} : memref<128xi32, #tpu.memory_space<vmem>>, vector<16xi32>,
    %swap3A_156 = vector.shape_cast %swap3A_155 : vector<16xi32> to vector<16xi32>
    %swap3A_157 = vector.shape_cast %scan3A_143#3 : vector<16xi32> to vector<16xi32>
    tpu.vector_store %arg7[%swap3A_154], %swap3A_157 {strides = array<i32>} : memref<128xi32, #tpu.memory_space<vmem>>, vector<16xi32>,
    %div3A_158 = arith.constant 1.000000e+00 : f32
    %div3A_159 = vector.broadcast %div3A_158 : f32 to vector<16xf32>
    %div3A_160 = arith.divf %div3A_159, %add3A_149 : vector<16xf32>
    %swap3A_161 = arith.constant 64 : index
    %swap3A_162 = tpu.vector_load %arg8[%swap3A_161] {strides = array<i32>} : memref<128xf32, #tpu.memory_space<vmem>>, vector<16xf32>,
    %swap3A_163 = vector.shape_cast %swap3A_162 : vector<16xf32> to vector<16xf32>
    %swap3A_164 = vector.shape_cast %div3A_160 : vector<16xf32> to vector<16xf32>
    tpu.vector_store %arg8[%swap3A_161], %swap3A_164 {strides = array<i32>} : memref<128xf32, #tpu.memory_space<vmem>>, vector<16xf32>,
    %div3A_165 = arith.divf %exp3A_146, %add3A_149 : vector<16xf32>
    %swap3A_166 = arith.constant 64 : index
    %swap3A_167 = tpu.vector_load %arg9[%swap3A_166] {strides = array<i32>} : memref<128xf32, #tpu.memory_space<vmem>>, vector<16xf32>,
    %swap3A_168 = vector.shape_cast %swap3A_167 : vector<16xf32> to vector<16xf32>
    %swap3A_169 = vector.shape_cast %div3A_165 : vector<16xf32> to vector<16xf32>
    tpu.vector_store %arg9[%swap3A_166], %swap3A_169 {strides = array<i32>} : memref<128xf32, #tpu.memory_space<vmem>>, vector<16xf32>,
    %broadcast_in_dim3A_170 = arith.constant -3.000000e+38 : f32
    %broadcast_in_dim3A_171 = vector.broadcast %broadcast_in_dim3A_170 : f32 to vector<16xf32>
    %broadcast_in_dim3A_172 = arith.constant 0 : i32
    %broadcast_in_dim3A_173 = vector.broadcast %broadcast_in_dim3A_172 : i32 to vector<16xi32>
    %scan3A_174 = arith.constant 0 : i32
    %scan3A_175 = arith.constant 64 : i32
    %scan3A_176 = arith.addi %scan3A_174, %scan3A_175 : i32
    %scan3A_177 = arith.constant 1 : i32
    %scan3A_178:4 = scf.for %scan3A_280 = %scan3A_174 to %scan3A_176 step %scan3A_177 iter_args(%scan3A_281 = %broadcast_in_dim3A_171, %scan3A_282 = %broadcast_in_dim3A_173, %scan3A_283 = %broadcast_in_dim3A_171, %scan3A_284 = %broadcast_in_dim3A_173) -> (vector<16xf32>, vector<16xi32>, vector<16xf32>, vector<16xi32>)  : i32 {
      %get3A = arith.index_cast %scan3A_280 : i32 to index
      %get3A_285 = arith.constant 80 : index
      %get3A_286 = tpu.vector_load %arg5[%get3A, %get3A_285] {strides = array<i32>} : memref<64x128xf32, #tpu.memory_space<vmem>>, vector<1x16xf32>,
      %get3A_287 = vector.shape_cast %get3A_286 : vector<1x16xf32> to vector<16xf32>
      %broadcast_in_dim3A_288 = arith.constant 0 : i32
      %broadcast_in_dim3A_289 = vector.broadcast %broadcast_in_dim3A_288 : i32 to vector<16xi32>
      %add3A_290 = vector.broadcast %scan3A_280 : i32 to vector<16xi32>
      %add3A_291 = arith.addi %broadcast_in_dim3A_289, %add3A_290 : vector<16xi32>
      %gt3A = arith.cmpf ogt, %get3A_287, %scan3A_283 : vector<16xf32>
      %select_n3A = arith.select %gt3A, %get3A_287, %scan3A_283 : vector<16xi1>, vector<16xf32>
      %select_n3A_292 = arith.select %gt3A, %add3A_291, %scan3A_284 : vector<16xi1>, vector<16xi32>
      %gt3A_293 = arith.cmpf ogt, %get3A_287, %scan3A_281 : vector<16xf32>
      %select_n3A_294 = arith.select %gt3A_293, %scan3A_281, %select_n3A : vector<16xi1>, vector<16xf32>
      %select_n3A_295 = arith.select %gt3A_293, %scan3A_282, %select_n3A_292 : vector<16xi1>, vector<16xi32>
      %select_n3A_296 = arith.select %gt3A_293, %get3A_287, %scan3A_281 : vector<16xi1>, vector<16xf32>
      %select_n3A_297 = arith.select %gt3A_293, %add3A_291, %scan3A_282 : vector<16xi1>, vector<16xi32>
      scf.yield %select_n3A_296, %select_n3A_297, %select_n3A_294, %select_n3A_295 : vector<16xf32>, vector<16xi32>, vector<16xf32>, vector<16xi32>
    }
    %scan3A_179 = arith.constant 64 : i32
    %sub3A_180 = arith.subf %scan3A_178#2, %scan3A_178#0 : vector<16xf32>
    %exp3A_181 = math.exp %sub3A_180 : vector<16xf32>
    %add3A_182 = arith.constant 1.000000e+00 : f32
    %add3A_183 = vector.broadcast %add3A_182 : f32 to vector<16xf32>
    %add3A_184 = arith.addf %add3A_183, %exp3A_181 : vector<16xf32>
    %swap3A_185 = arith.constant 80 : index
    %swap3A_186 = tpu.vector_load %arg6[%swap3A_185] {strides = array<i32>} : memref<128xi32, #tpu.memory_space<vmem>>, vector<16xi32>,
    %swap3A_187 = vector.shape_cast %swap3A_186 : vector<16xi32> to vector<16xi32>
    %swap3A_188 = vector.shape_cast %scan3A_178#1 : vector<16xi32> to vector<16xi32>
    tpu.vector_store %arg6[%swap3A_185], %swap3A_188 {strides = array<i32>} : memref<128xi32, #tpu.memory_space<vmem>>, vector<16xi32>,
    %swap3A_189 = arith.constant 80 : index
    %swap3A_190 = tpu.vector_load %arg7[%swap3A_189] {strides = array<i32>} : memref<128xi32, #tpu.memory_space<vmem>>, vector<16xi32>,
    %swap3A_191 = vector.shape_cast %swap3A_190 : vector<16xi32> to vector<16xi32>
    %swap3A_192 = vector.shape_cast %scan3A_178#3 : vector<16xi32> to vector<16xi32>
    tpu.vector_store %arg7[%swap3A_189], %swap3A_192 {strides = array<i32>} : memref<128xi32, #tpu.memory_space<vmem>>, vector<16xi32>,
    %div3A_193 = arith.constant 1.000000e+00 : f32
    %div3A_194 = vector.broadcast %div3A_193 : f32 to vector<16xf32>
    %div3A_195 = arith.divf %div3A_194, %add3A_184 : vector<16xf32>
    %swap3A_196 = arith.constant 80 : index
    %swap3A_197 = tpu.vector_load %arg8[%swap3A_196] {strides = array<i32>} : memref<128xf32, #tpu.memory_space<vmem>>, vector<16xf32>,
    %swap3A_198 = vector.shape_cast %swap3A_197 : vector<16xf32> to vector<16xf32>
    %swap3A_199 = vector.shape_cast %div3A_195 : vector<16xf32> to vector<16xf32>
    tpu.vector_store %arg8[%swap3A_196], %swap3A_199 {strides = array<i32>} : memref<128xf32, #tpu.memory_space<vmem>>, vector<16xf32>,
    %div3A_200 = arith.divf %exp3A_181, %add3A_184 : vector<16xf32>
    %swap3A_201 = arith.constant 80 : index
    %swap3A_202 = tpu.vector_load %arg9[%swap3A_201] {strides = array<i32>} : memref<128xf32, #tpu.memory_space<vmem>>, vector<16xf32>,
    %swap3A_203 = vector.shape_cast %swap3A_202 : vector<16xf32> to vector<16xf32>
    %swap3A_204 = vector.shape_cast %div3A_200 : vector<16xf32> to vector<16xf32>
    tpu.vector_store %arg9[%swap3A_201], %swap3A_204 {strides = array<i32>} : memref<128xf32, #tpu.memory_space<vmem>>, vector<16xf32>,
    %broadcast_in_dim3A_205 = arith.constant -3.000000e+38 : f32
    %broadcast_in_dim3A_206 = vector.broadcast %broadcast_in_dim3A_205 : f32 to vector<16xf32>
    %broadcast_in_dim3A_207 = arith.constant 0 : i32
    %broadcast_in_dim3A_208 = vector.broadcast %broadcast_in_dim3A_207 : i32 to vector<16xi32>
    %scan3A_209 = arith.constant 0 : i32
    %scan3A_210 = arith.constant 64 : i32
    %scan3A_211 = arith.addi %scan3A_209, %scan3A_210 : i32
    %scan3A_212 = arith.constant 1 : i32
    %scan3A_213:4 = scf.for %scan3A_280 = %scan3A_209 to %scan3A_211 step %scan3A_212 iter_args(%scan3A_281 = %broadcast_in_dim3A_206, %scan3A_282 = %broadcast_in_dim3A_208, %scan3A_283 = %broadcast_in_dim3A_206, %scan3A_284 = %broadcast_in_dim3A_208) -> (vector<16xf32>, vector<16xi32>, vector<16xf32>, vector<16xi32>)  : i32 {
      %get3A = arith.index_cast %scan3A_280 : i32 to index
      %get3A_285 = arith.constant 96 : index
      %get3A_286 = tpu.vector_load %arg5[%get3A, %get3A_285] {strides = array<i32>} : memref<64x128xf32, #tpu.memory_space<vmem>>, vector<1x16xf32>,
      %get3A_287 = vector.shape_cast %get3A_286 : vector<1x16xf32> to vector<16xf32>
      %broadcast_in_dim3A_288 = arith.constant 0 : i32
      %broadcast_in_dim3A_289 = vector.broadcast %broadcast_in_dim3A_288 : i32 to vector<16xi32>
      %add3A_290 = vector.broadcast %scan3A_280 : i32 to vector<16xi32>
      %add3A_291 = arith.addi %broadcast_in_dim3A_289, %add3A_290 : vector<16xi32>
      %gt3A = arith.cmpf ogt, %get3A_287, %scan3A_283 : vector<16xf32>
      %select_n3A = arith.select %gt3A, %get3A_287, %scan3A_283 : vector<16xi1>, vector<16xf32>
      %select_n3A_292 = arith.select %gt3A, %add3A_291, %scan3A_284 : vector<16xi1>, vector<16xi32>
      %gt3A_293 = arith.cmpf ogt, %get3A_287, %scan3A_281 : vector<16xf32>
      %select_n3A_294 = arith.select %gt3A_293, %scan3A_281, %select_n3A : vector<16xi1>, vector<16xf32>
      %select_n3A_295 = arith.select %gt3A_293, %scan3A_282, %select_n3A_292 : vector<16xi1>, vector<16xi32>
      %select_n3A_296 = arith.select %gt3A_293, %get3A_287, %scan3A_281 : vector<16xi1>, vector<16xf32>
      %select_n3A_297 = arith.select %gt3A_293, %add3A_291, %scan3A_282 : vector<16xi1>, vector<16xi32>
      scf.yield %select_n3A_296, %select_n3A_297, %select_n3A_294, %select_n3A_295 : vector<16xf32>, vector<16xi32>, vector<16xf32>, vector<16xi32>
    }
    %scan3A_214 = arith.constant 64 : i32
    %sub3A_215 = arith.subf %scan3A_213#2, %scan3A_213#0 : vector<16xf32>
    %exp3A_216 = math.exp %sub3A_215 : vector<16xf32>
    %add3A_217 = arith.constant 1.000000e+00 : f32
    %add3A_218 = vector.broadcast %add3A_217 : f32 to vector<16xf32>
    %add3A_219 = arith.addf %add3A_218, %exp3A_216 : vector<16xf32>
    %swap3A_220 = arith.constant 96 : index
    %swap3A_221 = tpu.vector_load %arg6[%swap3A_220] {strides = array<i32>} : memref<128xi32, #tpu.memory_space<vmem>>, vector<16xi32>,
    %swap3A_222 = vector.shape_cast %swap3A_221 : vector<16xi32> to vector<16xi32>
    %swap3A_223 = vector.shape_cast %scan3A_213#1 : vector<16xi32> to vector<16xi32>
    tpu.vector_store %arg6[%swap3A_220], %swap3A_223 {strides = array<i32>} : memref<128xi32, #tpu.memory_space<vmem>>, vector<16xi32>,
    %swap3A_224 = arith.constant 96 : index
    %swap3A_225 = tpu.vector_load %arg7[%swap3A_224] {strides = array<i32>} : memref<128xi32, #tpu.memory_space<vmem>>, vector<16xi32>,
    %swap3A_226 = vector.shape_cast %swap3A_225 : vector<16xi32> to vector<16xi32>
    %swap3A_227 = vector.shape_cast %scan3A_213#3 : vector<16xi32> to vector<16xi32>
    tpu.vector_store %arg7[%swap3A_224], %swap3A_227 {strides = array<i32>} : memref<128xi32, #tpu.memory_space<vmem>>, vector<16xi32>,
    %div3A_228 = arith.constant 1.000000e+00 : f32
    %div3A_229 = vector.broadcast %div3A_228 : f32 to vector<16xf32>
    %div3A_230 = arith.divf %div3A_229, %add3A_219 : vector<16xf32>
    %swap3A_231 = arith.constant 96 : index
    %swap3A_232 = tpu.vector_load %arg8[%swap3A_231] {strides = array<i32>} : memref<128xf32, #tpu.memory_space<vmem>>, vector<16xf32>,
    %swap3A_233 = vector.shape_cast %swap3A_232 : vector<16xf32> to vector<16xf32>
    %swap3A_234 = vector.shape_cast %div3A_230 : vector<16xf32> to vector<16xf32>
    tpu.vector_store %arg8[%swap3A_231], %swap3A_234 {strides = array<i32>} : memref<128xf32, #tpu.memory_space<vmem>>, vector<16xf32>,
    %div3A_235 = arith.divf %exp3A_216, %add3A_219 : vector<16xf32>
    %swap3A_236 = arith.constant 96 : index
    %swap3A_237 = tpu.vector_load %arg9[%swap3A_236] {strides = array<i32>} : memref<128xf32, #tpu.memory_space<vmem>>, vector<16xf32>,
    %swap3A_238 = vector.shape_cast %swap3A_237 : vector<16xf32> to vector<16xf32>
    %swap3A_239 = vector.shape_cast %div3A_235 : vector<16xf32> to vector<16xf32>
    tpu.vector_store %arg9[%swap3A_236], %swap3A_239 {strides = array<i32>} : memref<128xf32, #tpu.memory_space<vmem>>, vector<16xf32>,
    %broadcast_in_dim3A_240 = arith.constant -3.000000e+38 : f32
    %broadcast_in_dim3A_241 = vector.broadcast %broadcast_in_dim3A_240 : f32 to vector<16xf32>
    %broadcast_in_dim3A_242 = arith.constant 0 : i32
    %broadcast_in_dim3A_243 = vector.broadcast %broadcast_in_dim3A_242 : i32 to vector<16xi32>
    %scan3A_244 = arith.constant 0 : i32
    %scan3A_245 = arith.constant 64 : i32
    %scan3A_246 = arith.addi %scan3A_244, %scan3A_245 : i32
    %scan3A_247 = arith.constant 1 : i32
    %scan3A_248:4 = scf.for %scan3A_280 = %scan3A_244 to %scan3A_246 step %scan3A_247 iter_args(%scan3A_281 = %broadcast_in_dim3A_241, %scan3A_282 = %broadcast_in_dim3A_243, %scan3A_283 = %broadcast_in_dim3A_241, %scan3A_284 = %broadcast_in_dim3A_243) -> (vector<16xf32>, vector<16xi32>, vector<16xf32>, vector<16xi32>)  : i32 {
      %get3A = arith.index_cast %scan3A_280 : i32 to index
      %get3A_285 = arith.constant 112 : index
      %get3A_286 = tpu.vector_load %arg5[%get3A, %get3A_285] {strides = array<i32>} : memref<64x128xf32, #tpu.memory_space<vmem>>, vector<1x16xf32>,
      %get3A_287 = vector.shape_cast %get3A_286 : vector<1x16xf32> to vector<16xf32>
      %broadcast_in_dim3A_288 = arith.constant 0 : i32
      %broadcast_in_dim3A_289 = vector.broadcast %broadcast_in_dim3A_288 : i32 to vector<16xi32>
      %add3A_290 = vector.broadcast %scan3A_280 : i32 to vector<16xi32>
      %add3A_291 = arith.addi %broadcast_in_dim3A_289, %add3A_290 : vector<16xi32>
      %gt3A = arith.cmpf ogt, %get3A_287, %scan3A_283 : vector<16xf32>
      %select_n3A = arith.select %gt3A, %get3A_287, %scan3A_283 : vector<16xi1>, vector<16xf32>
      %select_n3A_292 = arith.select %gt3A, %add3A_291, %scan3A_284 : vector<16xi1>, vector<16xi32>
      %gt3A_293 = arith.cmpf ogt, %get3A_287, %scan3A_281 : vector<16xf32>
      %select_n3A_294 = arith.select %gt3A_293, %scan3A_281, %select_n3A : vector<16xi1>, vector<16xf32>
      %select_n3A_295 = arith.select %gt3A_293, %scan3A_282, %select_n3A_292 : vector<16xi1>, vector<16xi32>
      %select_n3A_296 = arith.select %gt3A_293, %get3A_287, %scan3A_281 : vector<16xi1>, vector<16xf32>
      %select_n3A_297 = arith.select %gt3A_293, %add3A_291, %scan3A_282 : vector<16xi1>, vector<16xi32>
      scf.yield %select_n3A_296, %select_n3A_297, %select_n3A_294, %select_n3A_295 : vector<16xf32>, vector<16xi32>, vector<16xf32>, vector<16xi32>
    }
    %scan3A_249 = arith.constant 64 : i32
    %sub3A_250 = arith.subf %scan3A_248#2, %scan3A_248#0 : vector<16xf32>
    %exp3A_251 = math.exp %sub3A_250 : vector<16xf32>
    %add3A_252 = arith.constant 1.000000e+00 : f32
    %add3A_253 = vector.broadcast %add3A_252 : f32 to vector<16xf32>
    %add3A_254 = arith.addf %add3A_253, %exp3A_251 : vector<16xf32>
    %swap3A_255 = arith.constant 112 : index
    %swap3A_256 = tpu.vector_load %arg6[%swap3A_255] {strides = array<i32>} : memref<128xi32, #tpu.memory_space<vmem>>, vector<16xi32>,
    %swap3A_257 = vector.shape_cast %swap3A_256 : vector<16xi32> to vector<16xi32>
    %swap3A_258 = vector.shape_cast %scan3A_248#1 : vector<16xi32> to vector<16xi32>
    tpu.vector_store %arg6[%swap3A_255], %swap3A_258 {strides = array<i32>} : memref<128xi32, #tpu.memory_space<vmem>>, vector<16xi32>,
    %swap3A_259 = arith.constant 112 : index
    %swap3A_260 = tpu.vector_load %arg7[%swap3A_259] {strides = array<i32>} : memref<128xi32, #tpu.memory_space<vmem>>, vector<16xi32>,
    %swap3A_261 = vector.shape_cast %swap3A_260 : vector<16xi32> to vector<16xi32>
    %swap3A_262 = vector.shape_cast %scan3A_248#3 : vector<16xi32> to vector<16xi32>
    tpu.vector_store %arg7[%swap3A_259], %swap3A_262 {strides = array<i32>} : memref<128xi32, #tpu.memory_space<vmem>>, vector<16xi32>,
    %div3A_263 = arith.constant 1.000000e+00 : f32
    %div3A_264 = vector.broadcast %div3A_263 : f32 to vector<16xf32>
    %div3A_265 = arith.divf %div3A_264, %add3A_254 : vector<16xf32>
    %swap3A_266 = arith.constant 112 : index
    %swap3A_267 = tpu.vector_load %arg8[%swap3A_266] {strides = array<i32>} : memref<128xf32, #tpu.memory_space<vmem>>, vector<16xf32>,
    %swap3A_268 = vector.shape_cast %swap3A_267 : vector<16xf32> to vector<16xf32>
    %swap3A_269 = vector.shape_cast %div3A_265 : vector<16xf32> to vector<16xf32>
    tpu.vector_store %arg8[%swap3A_266], %swap3A_269 {strides = array<i32>} : memref<128xf32, #tpu.memory_space<vmem>>, vector<16xf32>,
    %div3A_270 = arith.divf %exp3A_251, %add3A_254 : vector<16xf32>
    %swap3A_271 = arith.constant 112 : index
    %swap3A_272 = tpu.vector_load %arg9[%swap3A_271] {strides = array<i32>} : memref<128xf32, #tpu.memory_space<vmem>>, vector<16xf32>,
    %swap3A_273 = vector.shape_cast %swap3A_272 : vector<16xf32> to vector<16xf32>
    %swap3A_274 = vector.shape_cast %div3A_270 : vector<16xf32> to vector<16xf32>
    tpu.vector_store %arg9[%swap3A_271], %swap3A_274 {strides = array<i32>} : memref<128xf32, #tpu.memory_space<vmem>>, vector<16xf32>,
    %mul3A_275 = arith.constant 128 : i32
    %mul3A_276 = arith.muli %add3A, %mul3A_275 : i32
    %run_scoped3A = arith.constant 0 : i32
    "tpu.region"() ({
      %run_scoped3A_280 = tpu.sem_alloc : memref<!tpu.dma_semaphore, #tpu.memory_space<semaphore_mem>>
      %dma_start3A = tpu.memref_slice %arg3[%run_scoped3A, %mul3A_276] : memref<2x4096xi32, #tpu.memory_space<hbm>> -> memref<1x128xi32, #tpu.memory_space<hbm>>
      %dma_start3A_281 = tpu.memref_squeeze %dma_start3A : memref<1x128xi32, #tpu.memory_space<hbm>> -> memref<128xi32, #tpu.memory_space<hbm>>
      %dma_start3A_282 = tpu.memref_slice %arg3[%run_scoped3A, %mul3A_276] : memref<2x4096xi32, #tpu.memory_space<hbm>> -> memref<1x128xi32, #tpu.memory_space<hbm>>
      %dma_start3A_283 = tpu.memref_squeeze %dma_start3A_282 : memref<1x128xi32, #tpu.memory_space<hbm>> -> memref<128xi32, #tpu.memory_space<hbm>>
      tpu.enqueue_dma source(%arg6 : memref<128xi32, #tpu.memory_space<vmem>>) target(%dma_start3A_283 : memref<128xi32, #tpu.memory_space<hbm>>) target_semaphore(%run_scoped3A_280 : memref<!tpu.dma_semaphore, #tpu.memory_space<semaphore_mem>>)
      %dma_wait3A = tpu.memref_slice %arg3[%run_scoped3A, %mul3A_276] : memref<2x4096xi32, #tpu.memory_space<hbm>> -> memref<1x128xi32, #tpu.memory_space<hbm>>
      %dma_wait3A_284 = tpu.memref_squeeze %dma_wait3A : memref<1x128xi32, #tpu.memory_space<hbm>> -> memref<128xi32, #tpu.memory_space<hbm>>
      %dma_wait3A_285 = tpu.memref_slice %arg3[%run_scoped3A, %mul3A_276] : memref<2x4096xi32, #tpu.memory_space<hbm>> -> memref<1x128xi32, #tpu.memory_space<hbm>>
      %dma_wait3A_286 = tpu.memref_squeeze %dma_wait3A_285 : memref<1x128xi32, #tpu.memory_space<hbm>> -> memref<128xi32, #tpu.memory_space<hbm>>
      tpu.wait_dma2 semaphore(%run_scoped3A_280 : memref<!tpu.dma_semaphore, #tpu.memory_space<semaphore_mem>>) src(%arg6 : memref<128xi32, #tpu.memory_space<vmem>>) dst(%dma_wait3A_286 : memref<128xi32, #tpu.memory_space<hbm>>)
      tpu.yield
    }) : () -> ()
    %run_scoped3A_277 = arith.constant 1 : i32
    "tpu.region"() ({
      %run_scoped3A_280 = tpu.sem_alloc : memref<!tpu.dma_semaphore, #tpu.memory_space<semaphore_mem>>
      %dma_start3A = tpu.memref_slice %arg3[%run_scoped3A_277, %mul3A_276] : memref<2x4096xi32, #tpu.memory_space<hbm>> -> memref<1x128xi32, #tpu.memory_space<hbm>>
      %dma_start3A_281 = tpu.memref_squeeze %dma_start3A : memref<1x128xi32, #tpu.memory_space<hbm>> -> memref<128xi32, #tpu.memory_space<hbm>>
      %dma_start3A_282 = tpu.memref_slice %arg3[%run_scoped3A_277, %mul3A_276] : memref<2x4096xi32, #tpu.memory_space<hbm>> -> memref<1x128xi32, #tpu.memory_space<hbm>>
      %dma_start3A_283 = tpu.memref_squeeze %dma_start3A_282 : memref<1x128xi32, #tpu.memory_space<hbm>> -> memref<128xi32, #tpu.memory_space<hbm>>
      tpu.enqueue_dma source(%arg7 : memref<128xi32, #tpu.memory_space<vmem>>) target(%dma_start3A_283 : memref<128xi32, #tpu.memory_space<hbm>>) target_semaphore(%run_scoped3A_280 : memref<!tpu.dma_semaphore, #tpu.memory_space<semaphore_mem>>)
      %dma_wait3A = tpu.memref_slice %arg3[%run_scoped3A_277, %mul3A_276] : memref<2x4096xi32, #tpu.memory_space<hbm>> -> memref<1x128xi32, #tpu.memory_space<hbm>>
      %dma_wait3A_284 = tpu.memref_squeeze %dma_wait3A : memref<1x128xi32, #tpu.memory_space<hbm>> -> memref<128xi32, #tpu.memory_space<hbm>>
      %dma_wait3A_285 = tpu.memref_slice %arg3[%run_scoped3A_277, %mul3A_276] : memref<2x4096xi32, #tpu.memory_space<hbm>> -> memref<1x128xi32, #tpu.memory_space<hbm>>
      %dma_wait3A_286 = tpu.memref_squeeze %dma_wait3A_285 : memref<1x128xi32, #tpu.memory_space<hbm>> -> memref<128xi32, #tpu.memory_space<hbm>>
      tpu.wait_dma2 semaphore(%run_scoped3A_280 : memref<!tpu.dma_semaphore, #tpu.memory_space<semaphore_mem>>) src(%arg7 : memref<128xi32, #tpu.memory_space<vmem>>) dst(%dma_wait3A_286 : memref<128xi32, #tpu.memory_space<hbm>>)
      tpu.yield
    }) : () -> ()
    %run_scoped3A_278 = arith.constant 0 : i32
    "tpu.region"() ({
      %run_scoped3A_280 = tpu.sem_alloc : memref<!tpu.dma_semaphore, #tpu.memory_space<semaphore_mem>>
      %dma_start3A = tpu.memref_slice %arg4[%run_scoped3A_278, %mul3A_276] : memref<2x4096xf32, #tpu.memory_space<hbm>> -> memref<1x128xf32, #tpu.memory_space<hbm>>
      %dma_start3A_281 = tpu.memref_squeeze %dma_start3A : memref<1x128xf32, #tpu.memory_space<hbm>> -> memref<128xf32, #tpu.memory_space<hbm>>
      %dma_start3A_282 = tpu.memref_slice %arg4[%run_scoped3A_278, %mul3A_276] : memref<2x4096xf32, #tpu.memory_space<hbm>> -> memref<1x128xf32, #tpu.memory_space<hbm>>
      %dma_start3A_283 = tpu.memref_squeeze %dma_start3A_282 : memref<1x128xf32, #tpu.memory_space<hbm>> -> memref<128xf32, #tpu.memory_space<hbm>>
      tpu.enqueue_dma source(%arg8 : memref<128xf32, #tpu.memory_space<vmem>>) target(%dma_start3A_283 : memref<128xf32, #tpu.memory_space<hbm>>) target_semaphore(%run_scoped3A_280 : memref<!tpu.dma_semaphore, #tpu.memory_space<semaphore_mem>>)
      %dma_wait3A = tpu.memref_slice %arg4[%run_scoped3A_278, %mul3A_276] : memref<2x4096xf32, #tpu.memory_space<hbm>> -> memref<1x128xf32, #tpu.memory_space<hbm>>
      %dma_wait3A_284 = tpu.memref_squeeze %dma_wait3A : memref<1x128xf32, #tpu.memory_space<hbm>> -> memref<128xf32, #tpu.memory_space<hbm>>
      %dma_wait3A_285 = tpu.memref_slice %arg4[%run_scoped3A_278, %mul3A_276] : memref<2x4096xf32, #tpu.memory_space<hbm>> -> memref<1x128xf32, #tpu.memory_space<hbm>>
      %dma_wait3A_286 = tpu.memref_squeeze %dma_wait3A_285 : memref<1x128xf32, #tpu.memory_space<hbm>> -> memref<128xf32, #tpu.memory_space<hbm>>
      tpu.wait_dma2 semaphore(%run_scoped3A_280 : memref<!tpu.dma_semaphore, #tpu.memory_space<semaphore_mem>>) src(%arg8 : memref<128xf32, #tpu.memory_space<vmem>>) dst(%dma_wait3A_286 : memref<128xf32, #tpu.memory_space<hbm>>)
      tpu.yield
    }) : () -> ()
    %run_scoped3A_279 = arith.constant 1 : i32
    "tpu.region"() ({
      %run_scoped3A_280 = tpu.sem_alloc : memref<!tpu.dma_semaphore, #tpu.memory_space<semaphore_mem>>
      %dma_start3A = tpu.memref_slice %arg4[%run_scoped3A_279, %mul3A_276] : memref<2x4096xf32, #tpu.memory_space<hbm>> -> memref<1x128xf32, #tpu.memory_space<hbm>>
      %dma_start3A_281 = tpu.memref_squeeze %dma_start3A : memref<1x128xf32, #tpu.memory_space<hbm>> -> memref<128xf32, #tpu.memory_space<hbm>>
      %dma_start3A_282 = tpu.memref_slice %arg4[%run_scoped3A_279, %mul3A_276] : memref<2x4096xf32, #tpu.memory_space<hbm>> -> memref<1x128xf32, #tpu.memory_space<hbm>>
      %dma_start3A_283 = tpu.memref_squeeze %dma_start3A_282 : memref<1x128xf32, #tpu.memory_space<hbm>> -> memref<128xf32, #tpu.memory_space<hbm>>
      tpu.enqueue_dma source(%arg9 : memref<128xf32, #tpu.memory_space<vmem>>) target(%dma_start3A_283 : memref<128xf32, #tpu.memory_space<hbm>>) target_semaphore(%run_scoped3A_280 : memref<!tpu.dma_semaphore, #tpu.memory_space<semaphore_mem>>)
      %dma_wait3A = tpu.memref_slice %arg4[%run_scoped3A_279, %mul3A_276] : memref<2x4096xf32, #tpu.memory_space<hbm>> -> memref<1x128xf32, #tpu.memory_space<hbm>>
      %dma_wait3A_284 = tpu.memref_squeeze %dma_wait3A : memref<1x128xf32, #tpu.memory_space<hbm>> -> memref<128xf32, #tpu.memory_space<hbm>>
      %dma_wait3A_285 = tpu.memref_slice %arg4[%run_scoped3A_279, %mul3A_276] : memref<2x4096xf32, #tpu.memory_space<hbm>> -> memref<1x128xf32, #tpu.memory_space<hbm>>
      %dma_wait3A_286 = tpu.memref_squeeze %dma_wait3A_285 : memref<1x128xf32, #tpu.memory_space<hbm>> -> memref<128xf32, #tpu.memory_space<hbm>>
      tpu.wait_dma2 semaphore(%run_scoped3A_280 : memref<!tpu.dma_semaphore, #tpu.memory_space<semaphore_mem>>) src(%arg9 : memref<128xf32, #tpu.memory_space<vmem>>) dst(%dma_wait3A_286 : memref<128xf32, #tpu.memory_space<hbm>>)
      tpu.yield
    }) : () -> ()
    return
  }
}

module attributes {stable_mosaic.version = 14 : i64} {
  func.func @_logits_body(%arg0: i32, %arg1: memref<64x2048xf32, #tpu.memory_space<vmem>>, %arg2: memref<1024x2048xf32, #tpu.memory_space<vmem>>, %arg3: memref<8x64x128xf32, #tpu.memory_space<vmem>>) attributes {dimension_semantics = [#tpu.dimension_semantics<arbitrary>], iteration_bounds = array<i64: 4>, scalar_prefetch = 0 : i64, scratch_operands = 0 : i64, tpu.core_type = #tpu.core_type<tc>, window_params = [{pipeline_mode = #tpu.pipeline_mode<synchronous>, transform_indices = @transform_0, window_bounds = array<i64: 64, 2048>}, {transform_indices = @transform_1, window_bounds = array<i64: 1024, 2048>}, {transform_indices = @transform_2, window_bounds = array<i64: 8, 64, 128>}]} {
    %get3A = arith.constant 0 : index
    %get3A_0 = arith.constant 0 : index
    %get3A_1 = vector.load %arg1[%get3A, %get3A_0] : memref<64x2048xf32, #tpu.memory_space<vmem>>, vector<64x2048xf32>
    %get3A_2 = arith.constant 0 : index
    %get3A_3 = arith.constant 0 : index
    %get3A_4 = vector.load %arg2[%get3A_2, %get3A_3] : memref<1024x2048xf32, #tpu.memory_space<vmem>>, vector<1024x2048xf32>
    %dot_general3A = arith.constant dense<0.000000e+00> : vector<64x1024xf32>
    %dot_general3A_5 = tpu.matmul %get3A_1, %get3A_4, %dot_general3A {dimension_numbers = #tpu.dot_dimension_numbers<[1], [1], [0], [0], [0, 0, 1, 0], [], []>, transpose_lhs_hint = false} : vector<64x2048xf32>, vector<1024x2048xf32>, vector<64x1024xf32> -> vector<64x1024xf32>
    %slice3A = vector.extract_strided_slice %dot_general3A_5 {offsets = [0, 0], sizes = [64, 128], strides = [1, 1]} : vector<64x1024xf32> to vector<64x128xf32>
    %swap3A = arith.constant 0 : index
    %swap3A_6 = arith.constant 0 : index
    %swap3A_7 = arith.constant 0 : index
    %swap3A_8 = vector.load %arg3[%swap3A, %swap3A_6, %swap3A_7] : memref<8x64x128xf32, #tpu.memory_space<vmem>>, vector<1x64x128xf32>
    %swap3A_9 = vector.shape_cast %swap3A_8 : vector<1x64x128xf32> to vector<64x128xf32>
    %swap3A_10 = vector.shape_cast %slice3A : vector<64x128xf32> to vector<1x64x128xf32>
    tpu.vector_store %arg3[%swap3A, %swap3A_6, %swap3A_7], %swap3A_10 {strides = array<i32>} : memref<8x64x128xf32, #tpu.memory_space<vmem>>, vector<1x64x128xf32>,
    %slice3A_11 = vector.extract_strided_slice %dot_general3A_5 {offsets = [0, 128], sizes = [64, 128], strides = [1, 1]} : vector<64x1024xf32> to vector<64x128xf32>
    %swap3A_12 = arith.constant 1 : index
    %swap3A_13 = arith.constant 0 : index
    %swap3A_14 = arith.constant 0 : index
    %swap3A_15 = vector.load %arg3[%swap3A_12, %swap3A_13, %swap3A_14] : memref<8x64x128xf32, #tpu.memory_space<vmem>>, vector<1x64x128xf32>
    %swap3A_16 = vector.shape_cast %swap3A_15 : vector<1x64x128xf32> to vector<64x128xf32>
    %swap3A_17 = vector.shape_cast %slice3A_11 : vector<64x128xf32> to vector<1x64x128xf32>
    tpu.vector_store %arg3[%swap3A_12, %swap3A_13, %swap3A_14], %swap3A_17 {strides = array<i32>} : memref<8x64x128xf32, #tpu.memory_space<vmem>>, vector<1x64x128xf32>,
    %slice3A_18 = vector.extract_strided_slice %dot_general3A_5 {offsets = [0, 256], sizes = [64, 128], strides = [1, 1]} : vector<64x1024xf32> to vector<64x128xf32>
    %swap3A_19 = arith.constant 2 : index
    %swap3A_20 = arith.constant 0 : index
    %swap3A_21 = arith.constant 0 : index
    %swap3A_22 = vector.load %arg3[%swap3A_19, %swap3A_20, %swap3A_21] : memref<8x64x128xf32, #tpu.memory_space<vmem>>, vector<1x64x128xf32>
    %swap3A_23 = vector.shape_cast %swap3A_22 : vector<1x64x128xf32> to vector<64x128xf32>
    %swap3A_24 = vector.shape_cast %slice3A_18 : vector<64x128xf32> to vector<1x64x128xf32>
    tpu.vector_store %arg3[%swap3A_19, %swap3A_20, %swap3A_21], %swap3A_24 {strides = array<i32>} : memref<8x64x128xf32, #tpu.memory_space<vmem>>, vector<1x64x128xf32>,
    %slice3A_25 = vector.extract_strided_slice %dot_general3A_5 {offsets = [0, 384], sizes = [64, 128], strides = [1, 1]} : vector<64x1024xf32> to vector<64x128xf32>
    %swap3A_26 = arith.constant 3 : index
    %swap3A_27 = arith.constant 0 : index
    %swap3A_28 = arith.constant 0 : index
    %swap3A_29 = vector.load %arg3[%swap3A_26, %swap3A_27, %swap3A_28] : memref<8x64x128xf32, #tpu.memory_space<vmem>>, vector<1x64x128xf32>
    %swap3A_30 = vector.shape_cast %swap3A_29 : vector<1x64x128xf32> to vector<64x128xf32>
    %swap3A_31 = vector.shape_cast %slice3A_25 : vector<64x128xf32> to vector<1x64x128xf32>
    tpu.vector_store %arg3[%swap3A_26, %swap3A_27, %swap3A_28], %swap3A_31 {strides = array<i32>} : memref<8x64x128xf32, #tpu.memory_space<vmem>>, vector<1x64x128xf32>,
    %slice3A_32 = vector.extract_strided_slice %dot_general3A_5 {offsets = [0, 512], sizes = [64, 128], strides = [1, 1]} : vector<64x1024xf32> to vector<64x128xf32>
    %swap3A_33 = arith.constant 4 : index
    %swap3A_34 = arith.constant 0 : index
    %swap3A_35 = arith.constant 0 : index
    %swap3A_36 = vector.load %arg3[%swap3A_33, %swap3A_34, %swap3A_35] : memref<8x64x128xf32, #tpu.memory_space<vmem>>, vector<1x64x128xf32>
    %swap3A_37 = vector.shape_cast %swap3A_36 : vector<1x64x128xf32> to vector<64x128xf32>
    %swap3A_38 = vector.shape_cast %slice3A_32 : vector<64x128xf32> to vector<1x64x128xf32>
    tpu.vector_store %arg3[%swap3A_33, %swap3A_34, %swap3A_35], %swap3A_38 {strides = array<i32>} : memref<8x64x128xf32, #tpu.memory_space<vmem>>, vector<1x64x128xf32>,
    %slice3A_39 = vector.extract_strided_slice %dot_general3A_5 {offsets = [0, 640], sizes = [64, 128], strides = [1, 1]} : vector<64x1024xf32> to vector<64x128xf32>
    %swap3A_40 = arith.constant 5 : index
    %swap3A_41 = arith.constant 0 : index
    %swap3A_42 = arith.constant 0 : index
    %swap3A_43 = vector.load %arg3[%swap3A_40, %swap3A_41, %swap3A_42] : memref<8x64x128xf32, #tpu.memory_space<vmem>>, vector<1x64x128xf32>
    %swap3A_44 = vector.shape_cast %swap3A_43 : vector<1x64x128xf32> to vector<64x128xf32>
    %swap3A_45 = vector.shape_cast %slice3A_39 : vector<64x128xf32> to vector<1x64x128xf32>
    tpu.vector_store %arg3[%swap3A_40, %swap3A_41, %swap3A_42], %swap3A_45 {strides = array<i32>} : memref<8x64x128xf32, #tpu.memory_space<vmem>>, vector<1x64x128xf32>,
    %slice3A_46 = vector.extract_strided_slice %dot_general3A_5 {offsets = [0, 768], sizes = [64, 128], strides = [1, 1]} : vector<64x1024xf32> to vector<64x128xf32>
    %swap3A_47 = arith.constant 6 : index
    %swap3A_48 = arith.constant 0 : index
    %swap3A_49 = arith.constant 0 : index
    %swap3A_50 = vector.load %arg3[%swap3A_47, %swap3A_48, %swap3A_49] : memref<8x64x128xf32, #tpu.memory_space<vmem>>, vector<1x64x128xf32>
    %swap3A_51 = vector.shape_cast %swap3A_50 : vector<1x64x128xf32> to vector<64x128xf32>
    %swap3A_52 = vector.shape_cast %slice3A_46 : vector<64x128xf32> to vector<1x64x128xf32>
    tpu.vector_store %arg3[%swap3A_47, %swap3A_48, %swap3A_49], %swap3A_52 {strides = array<i32>} : memref<8x64x128xf32, #tpu.memory_space<vmem>>, vector<1x64x128xf32>,
    %slice3A_53 = vector.extract_strided_slice %dot_general3A_5 {offsets = [0, 896], sizes = [64, 128], strides = [1, 1]} : vector<64x1024xf32> to vector<64x128xf32>
    %swap3A_54 = arith.constant 7 : index
    %swap3A_55 = arith.constant 0 : index
    %swap3A_56 = arith.constant 0 : index
    %swap3A_57 = vector.load %arg3[%swap3A_54, %swap3A_55, %swap3A_56] : memref<8x64x128xf32, #tpu.memory_space<vmem>>, vector<1x64x128xf32>
    %swap3A_58 = vector.shape_cast %swap3A_57 : vector<1x64x128xf32> to vector<64x128xf32>
    %swap3A_59 = vector.shape_cast %slice3A_53 : vector<64x128xf32> to vector<1x64x128xf32>
    tpu.vector_store %arg3[%swap3A_54, %swap3A_55, %swap3A_56], %swap3A_59 {strides = array<i32>} : memref<8x64x128xf32, #tpu.memory_space<vmem>>, vector<1x64x128xf32>,
    return
  }
  func.func @transform_0(%arg0: i32) -> (i32, i32) {
    %c0_i32 = arith.constant 0 : i32
    %c0_i32_0 = arith.constant 0 : i32
    %c0_i32_1 = arith.constant 0 : i32
    return %c0_i32, %c0_i32_0 : i32, i32
  }
  func.func @transform_1(%arg0: i32) -> (i32, i32) {
    %add3A = arith.constant 4 : i32
    %add3A_0 = arith.addi %add3A, %arg0 : i32
    %c0_i32 = arith.constant 0 : i32
    %c0_i32_1 = arith.constant 0 : i32
    return %add3A_0, %c0_i32 : i32, i32
  }
  func.func @transform_2(%arg0: i32) -> (i32, i32, i32) {
    %c0_i32 = arith.constant 0 : i32
    %c0_i32_0 = arith.constant 0 : i32
    %c0_i32_1 = arith.constant 0 : i32
    return %arg0, %c0_i32, %c0_i32_0 : i32, i32, i32
  }
}

module attributes {stable_mosaic.version = 14 : i64} {
  func.func @_logits_body(%arg0: i32, %arg1: memref<64x2048xf32, #tpu.memory_space<vmem>>, %arg2: memref<1024x2048xf32, #tpu.memory_space<vmem>>, %arg3: memref<8x64x128xf32, #tpu.memory_space<vmem>>) attributes {dimension_semantics = [#tpu.dimension_semantics<arbitrary>], iteration_bounds = array<i64: 4>, scalar_prefetch = 0 : i64, scratch_operands = 0 : i64, tpu.core_type = #tpu.core_type<tc>, window_params = [{pipeline_mode = #tpu.pipeline_mode<synchronous>, transform_indices = @transform_0, window_bounds = array<i64: 64, 2048>}, {transform_indices = @transform_1, window_bounds = array<i64: 1024, 2048>}, {transform_indices = @transform_2, window_bounds = array<i64: 8, 64, 128>}]} {
    %get3A = arith.constant 0 : index
    %get3A_0 = arith.constant 0 : index
    %get3A_1 = vector.load %arg1[%get3A, %get3A_0] : memref<64x2048xf32, #tpu.memory_space<vmem>>, vector<64x2048xf32>
    %get3A_2 = arith.constant 0 : index
    %get3A_3 = arith.constant 0 : index
    %get3A_4 = vector.load %arg2[%get3A_2, %get3A_3] : memref<1024x2048xf32, #tpu.memory_space<vmem>>, vector<1024x2048xf32>
    %dot_general3A = arith.constant dense<0.000000e+00> : vector<64x1024xf32>
    %dot_general3A_5 = tpu.matmul %get3A_1, %get3A_4, %dot_general3A {dimension_numbers = #tpu.dot_dimension_numbers<[1], [1], [0], [0], [0, 0, 1, 0], [], []>, transpose_lhs_hint = false} : vector<64x2048xf32>, vector<1024x2048xf32>, vector<64x1024xf32> -> vector<64x1024xf32>
    %slice3A = vector.extract_strided_slice %dot_general3A_5 {offsets = [0, 0], sizes = [64, 128], strides = [1, 1]} : vector<64x1024xf32> to vector<64x128xf32>
    %swap3A = arith.constant 0 : index
    %swap3A_6 = arith.constant 0 : index
    %swap3A_7 = arith.constant 0 : index
    %swap3A_8 = vector.load %arg3[%swap3A, %swap3A_6, %swap3A_7] : memref<8x64x128xf32, #tpu.memory_space<vmem>>, vector<1x64x128xf32>
    %swap3A_9 = vector.shape_cast %swap3A_8 : vector<1x64x128xf32> to vector<64x128xf32>
    %swap3A_10 = vector.shape_cast %slice3A : vector<64x128xf32> to vector<1x64x128xf32>
    tpu.vector_store %arg3[%swap3A, %swap3A_6, %swap3A_7], %swap3A_10 {strides = array<i32>} : memref<8x64x128xf32, #tpu.memory_space<vmem>>, vector<1x64x128xf32>,
    %slice3A_11 = vector.extract_strided_slice %dot_general3A_5 {offsets = [0, 128], sizes = [64, 128], strides = [1, 1]} : vector<64x1024xf32> to vector<64x128xf32>
    %swap3A_12 = arith.constant 1 : index
    %swap3A_13 = arith.constant 0 : index
    %swap3A_14 = arith.constant 0 : index
    %swap3A_15 = vector.load %arg3[%swap3A_12, %swap3A_13, %swap3A_14] : memref<8x64x128xf32, #tpu.memory_space<vmem>>, vector<1x64x128xf32>
    %swap3A_16 = vector.shape_cast %swap3A_15 : vector<1x64x128xf32> to vector<64x128xf32>
    %swap3A_17 = vector.shape_cast %slice3A_11 : vector<64x128xf32> to vector<1x64x128xf32>
    tpu.vector_store %arg3[%swap3A_12, %swap3A_13, %swap3A_14], %swap3A_17 {strides = array<i32>} : memref<8x64x128xf32, #tpu.memory_space<vmem>>, vector<1x64x128xf32>,
    %slice3A_18 = vector.extract_strided_slice %dot_general3A_5 {offsets = [0, 256], sizes = [64, 128], strides = [1, 1]} : vector<64x1024xf32> to vector<64x128xf32>
    %swap3A_19 = arith.constant 2 : index
    %swap3A_20 = arith.constant 0 : index
    %swap3A_21 = arith.constant 0 : index
    %swap3A_22 = vector.load %arg3[%swap3A_19, %swap3A_20, %swap3A_21] : memref<8x64x128xf32, #tpu.memory_space<vmem>>, vector<1x64x128xf32>
    %swap3A_23 = vector.shape_cast %swap3A_22 : vector<1x64x128xf32> to vector<64x128xf32>
    %swap3A_24 = vector.shape_cast %slice3A_18 : vector<64x128xf32> to vector<1x64x128xf32>
    tpu.vector_store %arg3[%swap3A_19, %swap3A_20, %swap3A_21], %swap3A_24 {strides = array<i32>} : memref<8x64x128xf32, #tpu.memory_space<vmem>>, vector<1x64x128xf32>,
    %slice3A_25 = vector.extract_strided_slice %dot_general3A_5 {offsets = [0, 384], sizes = [64, 128], strides = [1, 1]} : vector<64x1024xf32> to vector<64x128xf32>
    %swap3A_26 = arith.constant 3 : index
    %swap3A_27 = arith.constant 0 : index
    %swap3A_28 = arith.constant 0 : index
    %swap3A_29 = vector.load %arg3[%swap3A_26, %swap3A_27, %swap3A_28] : memref<8x64x128xf32, #tpu.memory_space<vmem>>, vector<1x64x128xf32>
    %swap3A_30 = vector.shape_cast %swap3A_29 : vector<1x64x128xf32> to vector<64x128xf32>
    %swap3A_31 = vector.shape_cast %slice3A_25 : vector<64x128xf32> to vector<1x64x128xf32>
    tpu.vector_store %arg3[%swap3A_26, %swap3A_27, %swap3A_28], %swap3A_31 {strides = array<i32>} : memref<8x64x128xf32, #tpu.memory_space<vmem>>, vector<1x64x128xf32>,
    %slice3A_32 = vector.extract_strided_slice %dot_general3A_5 {offsets = [0, 512], sizes = [64, 128], strides = [1, 1]} : vector<64x1024xf32> to vector<64x128xf32>
    %swap3A_33 = arith.constant 4 : index
    %swap3A_34 = arith.constant 0 : index
    %swap3A_35 = arith.constant 0 : index
    %swap3A_36 = vector.load %arg3[%swap3A_33, %swap3A_34, %swap3A_35] : memref<8x64x128xf32, #tpu.memory_space<vmem>>, vector<1x64x128xf32>
    %swap3A_37 = vector.shape_cast %swap3A_36 : vector<1x64x128xf32> to vector<64x128xf32>
    %swap3A_38 = vector.shape_cast %slice3A_32 : vector<64x128xf32> to vector<1x64x128xf32>
    tpu.vector_store %arg3[%swap3A_33, %swap3A_34, %swap3A_35], %swap3A_38 {strides = array<i32>} : memref<8x64x128xf32, #tpu.memory_space<vmem>>, vector<1x64x128xf32>,
    %slice3A_39 = vector.extract_strided_slice %dot_general3A_5 {offsets = [0, 640], sizes = [64, 128], strides = [1, 1]} : vector<64x1024xf32> to vector<64x128xf32>
    %swap3A_40 = arith.constant 5 : index
    %swap3A_41 = arith.constant 0 : index
    %swap3A_42 = arith.constant 0 : index
    %swap3A_43 = vector.load %arg3[%swap3A_40, %swap3A_41, %swap3A_42] : memref<8x64x128xf32, #tpu.memory_space<vmem>>, vector<1x64x128xf32>
    %swap3A_44 = vector.shape_cast %swap3A_43 : vector<1x64x128xf32> to vector<64x128xf32>
    %swap3A_45 = vector.shape_cast %slice3A_39 : vector<64x128xf32> to vector<1x64x128xf32>
    tpu.vector_store %arg3[%swap3A_40, %swap3A_41, %swap3A_42], %swap3A_45 {strides = array<i32>} : memref<8x64x128xf32, #tpu.memory_space<vmem>>, vector<1x64x128xf32>,
    %slice3A_46 = vector.extract_strided_slice %dot_general3A_5 {offsets = [0, 768], sizes = [64, 128], strides = [1, 1]} : vector<64x1024xf32> to vector<64x128xf32>
    %swap3A_47 = arith.constant 6 : index
    %swap3A_48 = arith.constant 0 : index
    %swap3A_49 = arith.constant 0 : index
    %swap3A_50 = vector.load %arg3[%swap3A_47, %swap3A_48, %swap3A_49] : memref<8x64x128xf32, #tpu.memory_space<vmem>>, vector<1x64x128xf32>
    %swap3A_51 = vector.shape_cast %swap3A_50 : vector<1x64x128xf32> to vector<64x128xf32>
    %swap3A_52 = vector.shape_cast %slice3A_46 : vector<64x128xf32> to vector<1x64x128xf32>
    tpu.vector_store %arg3[%swap3A_47, %swap3A_48, %swap3A_49], %swap3A_52 {strides = array<i32>} : memref<8x64x128xf32, #tpu.memory_space<vmem>>, vector<1x64x128xf32>,
    %slice3A_53 = vector.extract_strided_slice %dot_general3A_5 {offsets = [0, 896], sizes = [64, 128], strides = [1, 1]} : vector<64x1024xf32> to vector<64x128xf32>
    %swap3A_54 = arith.constant 7 : index
    %swap3A_55 = arith.constant 0 : index
    %swap3A_56 = arith.constant 0 : index
    %swap3A_57 = vector.load %arg3[%swap3A_54, %swap3A_55, %swap3A_56] : memref<8x64x128xf32, #tpu.memory_space<vmem>>, vector<1x64x128xf32>
    %swap3A_58 = vector.shape_cast %swap3A_57 : vector<1x64x128xf32> to vector<64x128xf32>
    %swap3A_59 = vector.shape_cast %slice3A_53 : vector<64x128xf32> to vector<1x64x128xf32>
    tpu.vector_store %arg3[%swap3A_54, %swap3A_55, %swap3A_56], %swap3A_59 {strides = array<i32>} : memref<8x64x128xf32, #tpu.memory_space<vmem>>, vector<1x64x128xf32>,
    return
  }
  func.func @transform_0(%arg0: i32) -> (i32, i32) {
    %c0_i32 = arith.constant 0 : i32
    %c0_i32_0 = arith.constant 0 : i32
    %c0_i32_1 = arith.constant 0 : i32
    return %c0_i32, %c0_i32_0 : i32, i32
  }
  func.func @transform_1(%arg0: i32) -> (i32, i32) {
    %add3A = arith.constant 0 : i32
    %add3A_0 = arith.addi %add3A, %arg0 : i32
    %c0_i32 = arith.constant 0 : i32
    %c0_i32_1 = arith.constant 0 : i32
    return %add3A_0, %c0_i32 : i32, i32
  }
  func.func @transform_2(%arg0: i32) -> (i32, i32, i32) {
    %c0_i32 = arith.constant 0 : i32
    %c0_i32_0 = arith.constant 0 : i32
    %c0_i32_1 = arith.constant 0 : i32
    return %arg0, %c0_i32, %c0_i32_0 : i32, i32, i32
  }
}

</mosaic_0001>

<sc_bundles>
// kernel: kernel.6.cloned.1.call-start
scs
__scs_entry_jumppad:
0x0: {  	(pc) =	sbr.rel $0x88, $3  }
0x1: {  	(tag) =	ssettag $0x0;
	lr =	simm.s32 $0x1  }
0x2: {  	[smem:$0x3F9F] =	sst lr;
	_ =	strace $0xD0000000  }
0x3: {  	_ = 	snop  }
0x4: {  	_ = 	snop  }
0x5: {  	_ = 	snop  }
0x6: {  	_ = 	snop  }
0x7: {  	_ = 	snop  }
__scs_overlays_trampoline_lowered:
0x8: {  	[smem:$0x3FAE] =	sst s0  }
0x9: {  	[smem:$0x3FAF] =	sst s1  }
0xa: {  	[smem:$0x3FB0] =	sst s2  }
0xb: {  	[smem:$0x3FB1] =	sst s3  }
0xc: {  	[smem:$0x3FB2] =	sst s4  }
0xd: {  	[smem:$0x3FB3] =	sst s5  }
0xe: {  	[smem:$0x3FB4] =	sst s6  }
0xf: {  	[smem:$0x3FB5] =	sst s7  }
0x10: {  	[smem:$0x3FB6] =	sst s8  }
0x11: {  	[smem:$0x3FB7] =	sst s9;
	s0 =	simm.s32 @!p0 $0x0  }
0x12: {  	s1 =	sld [smem:$0x3F9D];
	s0 =	simm.s32 @p0 $0x1  }
0x13: {  	[smem:$0x3FB8] =	sst s0;
	s0 =	simm.s32 @!p1 $0x0  }
0x14: {  	s2 =	sld [smem:$0x3F9C];
	s0 =	simm.s32 @p1 $0x1  }
0x15: {  	[smem:$0x3FB9] =	sst s0;
	s0 =	simm.s32 @!p2 $0x0  }
0x16: {  	s3 =	sld [smem:$0x3FDB];
	s0 =	simm.s32 @p2 $0x1  }
0x17: {  	s4 =	simm.s32 $0x1BF5;
	[smem:$0x3FBB] =	sst s0  }
0x18: {  	s0 =	sld [smem:$0x3F9E];
	_ =	swait.ge [sflag:s4], $0x0  }
0x19: {  	s7 =	sld [smem:$0x3F9F]  }
0x1a: {  	s8 =	sadd.s32 $0xFFFFE003, lr  }
0x1b: {  	s9 =	sadd.s32 $0xFFFFFEF7, lr;
	s5 =	simm.s32 $0xFFFFFFFF;
	p2 =	slt.u32 s8, $0xFFFFF086  }
0x1c: {  	p1 =	slt.u32 s9, $0xF7A;
	s5 =	simm.s32 @!p2 $0x0  }
0x1d: {  	s5 =	simm.s32 @p1 $0x1;
	p0 =	seq.s32 s7, s2  }
0x1e: {  	s7 =	smul.u32 @!p0 $0xF7A, s2;
	p2 =	seq.s32 @!p0 s5, $0x0  }
0x1f: {  	s9 =	smul.u32 $0xF7A, s1;
	s8 =	simm.s32 @!p0 $0x1BF5;
	p2 =	por !p2, p0  }
0x20: {  	[sflag:s8] =	ssyncset.s32 @!p0 $0xFFFFF086;
	s6 =	sadd.s32 @!p0 s3, s7;
	s7 =	simm.s32 @!p0 $0x108  }
0x21: {  	s3 =	sadd.s32 s3, s9;
	s6 =	sadd.s32 @!p0 $0x88, s6;
	s7 =	simm.s32 @p2 $0x1082  }
0x22: {  	[simem:s7], [sflag:s8] =	dma.local @!p0 [hbm:s6], $0xF7A  }
0x23: {  	s9 =	sor.u32 $0xD0000000, s2;
	s6 =	simm.s32 $0x108;
	_ =	swait.ge @!p0 [sflag:s8], $0x0  }
0x24: {  	s3 =	sadd.s32 $0x88, s3;
	s6 =	simm.s32 @!p1 $0x1082;
	[sflag:s4] =	ssyncset.s32 $0xFFFFF086  }
0x25: {  	[simem:s6], [sflag:s4] =	dma.local [hbm:s3], $0xF7A  }
0x26: {  	[smem:$0x3F9F] =	sst s1;
	(tag) =	ssettag s2;
	_ =	strace s9  }
0x27: {  	s1 =	sld [smem:$0x3FAF]  }
0x28: {  	s2 =	sld [smem:$0x3FB0]  }
0x29: {  	s4 =	sld [smem:$0x3FB2]  }
0x2a: {  	p0 =	seq.s32 s5, $0x0;
	s5 =	sld [smem:$0x3FB3]  }
0x2b: {  	s6 =	sld [smem:$0x3FB4]  }
0x2c: {  	s7 =	sld [smem:$0x3FB5]  }
0x2d: {  	s3 =	simm.s32 $0x108;
	s8 =	sld [smem:$0x3FB6]  }
0x2e: {  	s3 =	simm.s32 @!p0 $0x1082;
	s9 =	sld [smem:$0x3FB7]  }
0x2f: {  	lr =	sadd.s32 s0, s3;
	s0 =	sld [smem:$0x3FAE]  }
0x30: {  	s3 =	sld [smem:$0x3FB1]  }
0x31: {  	[smem:$0x3FBA] =	sst s10  }
0x32: {  	s10 =	sld [smem:$0x3FB8];
	_ =	sdelay $0x3  }
0x33: {  	p0 =	seq.s32 s10, $0x1;
	s10 =	sld [smem:$0x3FBA];
	_ =	sdelay $0x3  }
0x34: {  	[smem:$0x3FBA] =	sst s10  }
0x35: {  	s10 =	sld [smem:$0x3FB9];
	_ =	sdelay $0x3  }
0x36: {  	p1 =	seq.s32 s10, $0x1;
	s10 =	sld [smem:$0x3FBA];
	_ =	sdelay $0x3  }
0x37: {  	[smem:$0x3FBA] =	sst s10  }
0x38: {  	s10 =	sld [smem:$0x3FBB]  }
0x39: {  	_ = 	snop;
	(pc) =	sbr.ind lr, $3  }
0x3a: {  	_ = 	snop  }
0x3b: {  	_ = 	snop  }
0x3c: {  	p2 =	seq.s32 s10, $0x1;
	s10 =	sld [smem:$0x3FBA]  }
0x3d: {  	_ =	shalt  }
0x3e: {  	_ =	shalt  }
0x3f: {  	_ =	shalt  }
0x40: {  	_ =	shalt  }
0x41: {  	_ =	shalt  }
0x42: {  	_ =	shalt  }
0x43: {  	_ =	shalt  }
0x44: {  	_ =	shalt  }
0x45: {  	_ =	shalt  }
0x46: {  	_ =	shalt  }
0x47: {  	_ =	shalt  }
0x48: {  	_ =	shalt  }
0x49: {  	_ =	shalt  }
0x4a: {  	_ =	shalt  }
0x4b: {  	_ =	shalt  }
0x4c: {  	_ =	shalt  }
0x4d: {  	_ =	shalt  }
0x4e: {  	_ =	shalt  }
0x4f: {  	_ =	shalt  }
0x50: {  	_ =	shalt  }
0x51: {  	_ =	shalt  }
0x52: {  	_ =	shalt  }
0x53: {  	_ =	shalt  }
0x54: {  	_ =	shalt  }
0x55: {  	_ =	shalt  }
0x56: {  	_ =	shalt  }
0x57: {  	_ =	shalt  }
0x58: {  	_ =	shalt  }
0x59: {  	_ =	shalt  }
0x5a: {  	_ =	shalt  }
0x5b: {  	_ =	shalt  }
0x5c: {  	_ =	shalt  }
0x5d: {  	_ =	shalt  }
0x5e: {  	_ =	shalt  }
0x5f: {  	_ =	shalt  }
0x60: {  	_ =	shalt  }
0x61: {  	_ =	shalt  }
0x62: {  	_ =	shalt  }
0x63: {  	_ =	shalt  }
0x64: {  	_ =	shalt  }
0x65: {  	_ =	shalt  }
0x66: {  	_ =	shalt  }
0x67: {  	_ =	shalt  }
0x68: {  	_ =	shalt  }
0x69: {  	_ =	shalt  }
0x6a: {  	_ =	shalt  }
0x6b: {  	_ =	shalt  }
0x6c: {  	_ =	shalt  }
0x6d: {  	_ =	shalt  }
0x6e: {  	_ =	shalt  }
0x6f: {  	_ =	shalt  }
0x70: {  	_ =	shalt  }
0x71: {  	_ =	shalt  }
0x72: {  	_ =	shalt  }
0x73: {  	_ =	shalt  }
0x74: {  	_ =	shalt  }
0x75: {  	_ =	shalt  }
0x76: {  	_ =	shalt  }
0x77: {  	_ =	shalt  }
0x78: {  	_ =	shalt  }
0x79: {  	_ =	shalt  }
0x7a: {  	_ =	shalt  }
0x7b: {  	_ =	shalt  }
0x7c: {  	_ =	shalt  }
0x7d: {  	_ =	shalt  }
0x7e: {  	_ =	shalt  }
0x7f: {  	_ =	shalt  }
0x80: {  	_ =	shalt  }
0x81: {  	_ =	shalt  }
0x82: {  	_ =	shalt  }
0x83: {  	_ =	shalt  }
0x84: {  	_ =	shalt  }
0x85: {  	_ =	shalt  }
0x86: {  	_ =	shalt  }
0x87: {  	_ =	shalt  }
.Lfunc_end0:
.L_simem_size_0:
called_computation_lowered:
.L_overlay_start_0:
0x88: {  	s2 =	sld [smem:$0x3FD9]  }
0x89: {  	s3 =	sld [smem:$0x3FFE];
	_ =	sdelay $0x1  }
0x8a: {  	s1 =	srdreg.scid  }
0x8b: {  	s0 =	sand.u32 $0x1, s1  }
0x8c: {  	s16 =	sshll.u32 s0, $0xA;
	s2 =	sadd.s32 s3, s2  }
0x8d: {  	s2 =	sadd.s32 s2, s16  }
0x8e: {  	[smem:$0x3FC6] =	sst s2  }
0x8f: {  	_ = 	snop  }
0x90: {  	(tm) =	ssettm $0x1  }
0x91: {  	s17 =	sld [smem:$0x3FFB];
	_ =	sdelay $0x3  }
0x92: {  	_ =	strace s17  }
0x93: {  	s2 =	sld [smem:$0x3FFC];
	_ =	sdelay $0x3  }
0x94: {  	_ =	strace s2  }
0x95: {  	s2 =	sld [smem:$0x3FFD];
	_ =	sdelay $0x3  }
0x96: {  	_ =	strace s2  }
0x97: {  	_ =	strace $0x8FFFFFFF  }
0x98: {  	s18 =	sld [smem:$0x3FDB];
	_ =	sdelay $0x1  }
0x99: {  	s19 =	simm.s32 $_scs_section_size  }
0x9a: {  	s4 =	simm.s32 $_size__tile_overlayer_lowered;
	s5 =	simm.s32 $_tile_overlayer_lowered  }
0x9b: {  	s22 =	simm.s32 $0x1BFF;
	s21 =	sshll.u32 s5, $0x1;
	s2 =	sadd.s32 s19, s18  }
0x9c: {  	s6 =	simm.s32 $0x0;
	s20 =	sshll.u32 s4, $0x1;
	s4 =	sadd.s32 s21, s2  }
0x9d: {  	[timem:s6], [sflag:s22] =	dma.local [hbm:s4], s20  }
0x9e: {  	_ =	swait.ge [sflag:s22], s20  }
0x9f: {  	s3 =	ssub.s32 $0x0, s20;
	[sflag:s22] =	ssyncset.done $0x0  }
0xa0: {  	[sflag:s22] =	ssyncadd.s32 s3;
	_ =	sdelay $0x1  }
0xa1: {  	s23 =	simm.s32 $0x1B8B  }
0xa2: {  	_ =	swait.ge [sflag:s23], $0x1  }
0xa3: {  	[sflag:s23] =	ssyncset.done $0x0  }
0xa4: {  	s25 =	simm.s32 $0x1B8E;
	s24 =	sld [smem:$0x3FFE];
	[sflag:s23] =	ssyncadd.s32 $0xFFFFFFFF  }
0xa5: {  	s26 =	simm.s32 $execute0_lowered;
	[smem:$0x3FD2] =	sst s25  }
0xa6: {  	s4 =	sshll.u32 s26, $0x1;
	_ =	strace $0x80000046;
	[dreg:$0x1] =	wrdreg $0xFFFFFFFF  }
0xa7: {  	s28 =	simm.s32 $_size_execute0_lowered;
	s2 =	sadd.s32 s2, s4;
	[dreg:$0x0] =	wrdreg $0x0  }
0xa8: {  	s4 =	sshll.u32 s28, $0x1;
	[dreg:$0x2] =	wrdreg s2  }
0xa9: {  	[dreg:$0x3] =	wrdreg s4  }
0xaa: {  	[dreg:$0x4] =	wrdreg $0xC0  }
0xab: {  	_ =	task [dreg:s6], $0x5FFFF  }
0xac: {  	[dreg:$0x1] =	wrdreg $0xFFFFFFFF  }
0xad: {  	[dreg:$0x0] =	wrdreg $0x60  }
0xae: {  	[dreg:$0x2] =	wrdreg s24  }
0xaf: {  	[dreg:$0x3] =	wrdreg $0x9  }
0xb0: {  	_ =	task.clear_ibuf [dreg:s6], $0x4FFFF;
	_ =	strace $0x90000046  }
0xb1: {  	s29 =	simm.s32 $0x9;
	_ =	strace $0x80000048  }
0xb2: {  	_ =	swait.ge [sflag:s29], $0x1  }
0xb3: {  	[sflag:s29] =	ssyncadd.s32 $0xFFFFFFFF  }
0xb4: {  	_ =	strace $0x90000048  }
0xb5: {  	_ =	sfence  }
0xb6: {  	s30 =	sld [smem:$0x0];
	_ =	sdelay $0x2  }
0xb7: {  	s31 =	sshll.u32 s1, $0xD;
	s1 =	sshrl.u32 s1, $0x2  }
0xb8: {  	s3 =	sand.u32 $0x4000, s31;
	s1 =	sadd.s32 s1, s30  }
0xb9: {  	s0 =	sor.u32 s3, s0;
	s1 =	sshll.u32 s1, $0x11  }
0xba: {  	s0 =	sor.u32 s1, s0  }
0xbb: {  	s0 =	sadd.s32 $0x8F2B, s0  }
0xbc: {  	[sflag:s0] =	ssyncadd.remote.s32 $0x1  }
0xbd: {  	_ =	sfence.sel $0xFFFF  }
0xbe: {  	[dreg:$0x0] =	wrdreg $0xFFFFFFFF;
	(pc) =	sbr.abs _section_cstart, $3  }
0xbf: {  	[dreg:$0x1] =	wrdreg $0xFFFFFFFF  }
0xc0: {  	_ =	task.clear_ibuf [dreg:s6], $0x2FFFF;
	_ =	strace $0x9FFFFFFF  }
0xc1: {  	(tm) =	ssettm $0x7FFFFFFF  }
tec
execute0_lowered:
.L_overlay_start_1:
0x0: {  	(tag) =	ssettag $0x1  }
0x1: {  	s1 =	srdreg.scid  }
0x2: {  	s0 =	stileid.u32;
	s3 =	rddreg [dreg:$0x0];
	s2 =	simm.s32 $0x0  }
0x3: {  	s12 =	simm.s32 $0x2100;
	s13 =	simm.s32 $0x2180;
	s14 =	simm.s32 $0x0  }
0x4: {  	s4 =	sand.u32 $0x1, s1;
	s5 =	sshll.u32 s0, $0x1;
	s1 =	rddreg [dreg:$0x1]  }
0x5: {  	[smem:$0x7FF] =	sst s2;
	s7 =	sadd.s32 $0x9A00, s3;
	s10 =	sadd.s32 $0x9E00, s3  }
0x6: {  	s5 =	sor.u32 s4, s5;
	_ =	strace $0x80000047;
	s4 =	ssub.s32 $0x2, s4  }
0x7: {  	s6 =	sshll.u32 s5, $0xA;
	s8 =	sshrl.u32 s4, $0x1;
	s9 =	sshll.u32 s5, $0x5  }
0x8: {  	s6 =	sadd.s32 s6, s3;
	s8 =	ssub.s32 s4, s8;
	s11 =	sor.u32 $0x10, s9  }
0x9: {  	s4 =	sadd.s32 s7, s9;
	s3 =	sadd.s32 $0x1A00, s6;
	s5 =	sadd.s32 s7, s11  }
0xa: {  	s6 =	sadd.s32 s10, s9;
	s7 =	sadd.s32 s10, s11;
	s8 =	smax.u32 s8, $0x1  }
0xb: {  	s9 =	simm.s32 $0x1;
	s10 =	simm.s32 $0x2000;
	s11 =	simm.s32 $0x2080  }
.LBB2_1:
0xc: {  	[tilespmem:s2], [sflag:$0x1] =	stream.linear.gather [hbm4b:s3+s2], $0x2000, $0x38;
	[tilespmem:$0x2200] =	vst v63  }
0xd: {  	_ =	swait.ge [sflag:s9], $0x2000  }
0xe: {  	[sflag:s9] =	ssyncset.done $0x0  }
0xf: {  	[sflag:s9] =	ssyncadd.s32 $0xFFFFE000  }
0x10: {  	v3 =	vld [tilespmem:s2+$0x0];
	_ =	sdelay $0x3  }
0x11: {  	v4 =	vimm.f32 $-3.000000010e+38;
	v1 =	vimm.s32 $0x0  }
0x12: {  	s16 =	simm.s32 $0x1;
	s17 =	simm.s32 $0x80;
	s15 =	simm.s32 $0x0;
	v2 =	vimm.f32 $-3.000000010e+38;
	v0 =	vimm.s32 $0x0;
	vm0 =	vgt.f32 v3, v4  }
.LBB2_2:
0x13: {  	v5 =	vld [tilespmem:s17+$0x0];
	p0 =	sne.s32 s16, $0x3F;
	v4 =	vsel vm0, v3, v4;
	v1 =	vsel vm0, s15, v1;
	vm0 =	vgt.f32 v3, v2;
	s18 =	smov.u32 s16;
	s16 =	sadd.s32 $0x1, s16  }
.Ltmp0:
0x14: {  	v4 =	vsel vm0, v2, v4;
	v1 =	vsel vm0, v0, v1;
	v2 =	vsel vm0, v3, v2;
	(pc) =	sbr.rel @p0 .LBB2_2-.Ltmp0, $2  }
0x15: {  	v0 =	vsel vm0, s15, v0;
	s15 =	smov.u32 s18;
	_ =	sdelay $0x2  }
0x16: {  	s17 =	sadd.s32 $0x80, s17;
	vm0 =	vgt.f32 v5, v4;
	v3 =	vmov v5  }
0x17: {  	v4 =	vsel vm0, v3, v4;
	vm1 =	vgt.f32 v3, v2  }
0x18: {  	v4 =	vsel vm1, v2, v4;
	v2 =	vsel vm1, v3, v2  }
0x19: {  	v2 =	vsub.f32 v4, v2;
	_ =	sdelay $0x1  }
0x1a: {  	v2 =	vmul.f32 $1.442695020e+00, v2;
	_ =	sdelay $0x1  }
0x1b: {  	(erf) = vpow2.f32 v2;
	_ =	sdelay $0x8  }
0x1c: {  	v2 =	vpop (erf)  }
0x1d: {  	v3 =	vadd.f32 $1.000000000e+00, v2;
	_ =	sdelay $0x1  }
0x1e: {  	(erf) = vrcp.f32 v3;
	_ =	sdelay $0x5  }
0x1f: {  	v1 =	vsel vm0, s15, v1;
	_ =	sdelay $0x1  }
0x20: {  	v3 =	vsel vm1, s15, v0  }
0x21: {  	v0 =	vsel vm1, v0, v1;
	[tilespmem:$0x2000] =	vst v3;
	v1 =	vpop (erf)  }
0x22: {  	[tilespmem:$0x2080] =	vst v0;
	v0 =	vmul.f32 v1, v2  }
0x23: {  	[tilespmem:$0x2100] =	vst v1  }
0x24: {  	s31 =	simm.s32 $0x10;
	[tilespmem:$0x2180] =	vst v0  }
0x25: {  	v3 =	vld [tilespmem:s31+$0x0];
	_ =	sdelay $0x3  }
0x26: {  	v4 =	vimm.f32 $-3.000000010e+38;
	v1 =	vimm.s32 $0x0  }
0x27: {  	s16 =	simm.s32 $0x1;
	s17 =	simm.s32 $0x90;
	s15 =	simm.s32 $0x0;
	v2 =	vimm.f32 $-3.000000010e+38;
	v0 =	vimm.s32 $0x0;
	vm0 =	vgt.f32 v3, v4  }
.LBB2_4:
0x28: {  	v5 =	vld [tilespmem:s17+$0x0];
	p0 =	sne.s32 s16, $0x3F;
	v4 =	vsel vm0, v3, v4;
	v1 =	vsel vm0, s15, v1;
	vm0 =	vgt.f32 v3, v2;
	s18 =	smov.u32 s16;
	s16 =	sadd.s32 $0x1, s16  }
.Ltmp1:
0x29: {  	v4 =	vsel vm0, v2, v4;
	v1 =	vsel vm0, v0, v1;
	v2 =	vsel vm0, v3, v2;
	(pc) =	sbr.rel @p0 .LBB2_4-.Ltmp1, $2  }
0x2a: {  	v0 =	vsel vm0, s15, v0;
	s15 =	smov.u32 s18;
	_ =	sdelay $0x2  }
0x2b: {  	s17 =	sadd.s32 $0x80, s17;
	vm0 =	vgt.f32 v5, v4;
	v3 =	vmov v5  }
0x2c: {  	v4 =	vsel vm0, v3, v4;
	vm1 =	vgt.f32 v3, v2  }
0x2d: {  	v4 =	vsel vm1, v2, v4;
	v2 =	vsel vm1, v3, v2  }
0x2e: {  	v2 =	vsub.f32 v4, v2;
	_ =	sdelay $0x1  }
0x2f: {  	v2 =	vmul.f32 $1.442695020e+00, v2;
	_ =	sdelay $0x1  }
0x30: {  	(erf) = vpow2.f32 v2;
	_ =	sdelay $0x8  }
0x31: {  	v2 =	vpop (erf)  }
0x32: {  	v3 =	vadd.f32 $1.000000000e+00, v2;
	_ =	sdelay $0x1  }
0x33: {  	(erf) = vrcp.f32 v3;
	_ =	sdelay $0x5  }
0x34: {  	v1 =	vsel vm0, s15, v1;
	_ =	sdelay $0x1  }
0x35: {  	v3 =	vsel vm1, s15, v0  }
0x36: {  	v0 =	vsel vm1, v0, v1;
	[tilespmem:$0x2010] =	vst v3;
	v1 =	vpop (erf)  }
0x37: {  	[tilespmem:$0x2090] =	vst v0;
	v0 =	vmul.f32 v1, v2  }
0x38: {  	[tilespmem:$0x2110] =	vst v1  }
0x39: {  	s31 =	simm.s32 $0x20;
	[tilespmem:$0x2190] =	vst v0  }
0x3a: {  	v3 =	vld [tilespmem:s31+$0x0];
	_ =	sdelay $0x3  }
0x3b: {  	v4 =	vimm.f32 $-3.000000010e+38;
	v1 =	vimm.s32 $0x0  }
0x3c: {  	s16 =	simm.s32 $0x1;
	s17 =	simm.s32 $0xA0;
	s15 =	simm.s32 $0x0;
	v2 =	vimm.f32 $-3.000000010e+38;
	v0 =	vimm.s32 $0x0;
	vm0 =	vgt.f32 v3, v4  }
.LBB2_6:
0x3d: {  	v5 =	vld [tilespmem:s17+$0x0];
	p0 =	sne.s32 s16, $0x3F;
	v4 =	vsel vm0, v3, v4;
	v1 =	vsel vm0, s15, v1;
	vm0 =	vgt.f32 v3, v2;
	s18 =	smov.u32 s16;
	s16 =	sadd.s32 $0x1, s16  }
.Ltmp2:
0x3e: {  	v4 =	vsel vm0, v2, v4;
	v1 =	vsel vm0, v0, v1;
	v2 =	vsel vm0, v3, v2;
	(pc) =	sbr.rel @p0 .LBB2_6-.Ltmp2, $2  }
0x3f: {  	v0 =	vsel vm0, s15, v0;
	s15 =	smov.u32 s18;
	_ =	sdelay $0x2  }
0x40: {  	s17 =	sadd.s32 $0x80, s17;
	vm0 =	vgt.f32 v5, v4;
	v3 =	vmov v5  }
0x41: {  	v4 =	vsel vm0, v3, v4;
	vm1 =	vgt.f32 v3, v2  }
0x42: {  	v4 =	vsel vm1, v2, v4;
	v2 =	vsel vm1, v3, v2  }
0x43: {  	v2 =	vsub.f32 v4, v2;
	_ =	sdelay $0x1  }
0x44: {  	v2 =	vmul.f32 $1.442695020e+00, v2;
	_ =	sdelay $0x1  }
0x45: {  	(erf) = vpow2.f32 v2;
	_ =	sdelay $0x8  }
0x46: {  	v2 =	vpop (erf)  }
0x47: {  	v3 =	vadd.f32 $1.000000000e+00, v2;
	_ =	sdelay $0x1  }
0x48: {  	(erf) = vrcp.f32 v3;
	_ =	sdelay $0x5  }
0x49: {  	v1 =	vsel vm0, s15, v1;
	_ =	sdelay $0x1  }
0x4a: {  	v3 =	vsel vm1, s15, v0  }
0x4b: {  	v0 =	vsel vm1, v0, v1;
	[tilespmem:$0x2020] =	vst v3;
	v1 =	vpop (erf)  }
0x4c: {  	[tilespmem:$0x20A0] =	vst v0;
	v0 =	vmul.f32 v1, v2  }
0x4d: {  	[tilespmem:$0x2120] =	vst v1  }
0x4e: {  	s31 =	simm.s32 $0x30;
	[tilespmem:$0x21A0] =	vst v0  }
0x4f: {  	v3 =	vld [tilespmem:s31+$0x0];
	_ =	sdelay $0x3  }
0x50: {  	v4 =	vimm.f32 $-3.000000010e+38;
	v1 =	vimm.s32 $0x0  }
0x51: {  	s16 =	simm.s32 $0x1;
	s17 =	simm.s32 $0xB0;
	s15 =	simm.s32 $0x0;
	v2 =	vimm.f32 $-3.000000010e+38;
	v0 =	vimm.s32 $0x0;
	vm0 =	vgt.f32 v3, v4  }
.LBB2_8:
0x52: {  	v5 =	vld [tilespmem:s17+$0x0];
	p0 =	sne.s32 s16, $0x3F;
	v4 =	vsel vm0, v3, v4;
	v1 =	vsel vm0, s15, v1;
	vm0 =	vgt.f32 v3, v2;
	s18 =	smov.u32 s16;
	s16 =	sadd.s32 $0x1, s16  }
.Ltmp3:
0x53: {  	v4 =	vsel vm0, v2, v4;
	v1 =	vsel vm0, v0, v1;
	v2 =	vsel vm0, v3, v2;
	(pc) =	sbr.rel @p0 .LBB2_8-.Ltmp3, $2  }
0x54: {  	v0 =	vsel vm0, s15, v0;
	s15 =	smov.u32 s18;
	_ =	sdelay $0x2  }
0x55: {  	s17 =	sadd.s32 $0x80, s17;
	vm0 =	vgt.f32 v5, v4;
	v3 =	vmov v5  }
0x56: {  	v4 =	vsel vm0, v3, v4;
	vm1 =	vgt.f32 v3, v2  }
0x57: {  	v4 =	vsel vm1, v2, v4;
	v2 =	vsel vm1, v3, v2  }
0x58: {  	v2 =	vsub.f32 v4, v2;
	_ =	sdelay $0x1  }
0x59: {  	v2 =	vmul.f32 $1.442695020e+00, v2;
	_ =	sdelay $0x1  }
0x5a: {  	(erf) = vpow2.f32 v2;
	_ =	sdelay $0x8  }
0x5b: {  	v2 =	vpop (erf)  }
0x5c: {  	v3 =	vadd.f32 $1.000000000e+00, v2;
	_ =	sdelay $0x1  }
0x5d: {  	(erf) = vrcp.f32 v3;
	_ =	sdelay $0x5  }
0x5e: {  	v1 =	vsel vm0, s15, v1;
	_ =	sdelay $0x1  }
0x5f: {  	v3 =	vsel vm1, s15, v0  }
0x60: {  	v0 =	vsel vm1, v0, v1;
	[tilespmem:$0x2030] =	vst v3;
	v1 =	vpop (erf)  }
0x61: {  	[tilespmem:$0x20B0] =	vst v0;
	v0 =	vmul.f32 v1, v2  }
0x62: {  	[tilespmem:$0x2130] =	vst v1  }
0x63: {  	s31 =	simm.s32 $0x40;
	[tilespmem:$0x21B0] =	vst v0  }
0x64: {  	v3 =	vld [tilespmem:s31+$0x0];
	_ =	sdelay $0x3  }
0x65: {  	v4 =	vimm.f32 $-3.000000010e+38;
	v1 =	vimm.s32 $0x0  }
0x66: {  	s16 =	simm.s32 $0x1;
	s17 =	simm.s32 $0xC0;
	s15 =	simm.s32 $0x0;
	v2 =	vimm.f32 $-3.000000010e+38;
	v0 =	vimm.s32 $0x0;
	vm0 =	vgt.f32 v3, v4  }
.LBB2_10:
0x67: {  	v5 =	vld [tilespmem:s17+$0x0];
	p0 =	sne.s32 s16, $0x3F;
	v4 =	vsel vm0, v3, v4;
	v1 =	vsel vm0, s15, v1;
	vm0 =	vgt.f32 v3, v2;
	s18 =	smov.u32 s16;
	s16 =	sadd.s32 $0x1, s16  }
.Ltmp4:
0x68: {  	v4 =	vsel vm0, v2, v4;
	v1 =	vsel vm0, v0, v1;
	v2 =	vsel vm0, v3, v2;
	(pc) =	sbr.rel @p0 .LBB2_10-.Ltmp4, $2  }
0x69: {  	v0 =	vsel vm0, s15, v0;
	s15 =	smov.u32 s18;
	_ =	sdelay $0x2  }
0x6a: {  	s17 =	sadd.s32 $0x80, s17;
	vm0 =	vgt.f32 v5, v4;
	v3 =	vmov v5  }
0x6b: {  	v4 =	vsel vm0, v3, v4;
	vm1 =	vgt.f32 v3, v2  }
0x6c: {  	v4 =	vsel vm1, v2, v4;
	v2 =	vsel vm1, v3, v2  }
0x6d: {  	v2 =	vsub.f32 v4, v2;
	_ =	sdelay $0x1  }
0x6e: {  	v2 =	vmul.f32 $1.442695020e+00, v2;
	_ =	sdelay $0x1  }
0x6f: {  	(erf) = vpow2.f32 v2;
	_ =	sdelay $0x8  }
0x70: {  	v2 =	vpop (erf)  }
0x71: {  	v3 =	vadd.f32 $1.000000000e+00, v2;
	_ =	sdelay $0x1  }
0x72: {  	(erf) = vrcp.f32 v3;
	_ =	sdelay $0x5  }
0x73: {  	v1 =	vsel vm0, s15, v1;
	_ =	sdelay $0x1  }
0x74: {  	v3 =	vsel vm1, s15, v0  }
0x75: {  	v0 =	vsel vm1, v0, v1;
	[tilespmem:$0x2040] =	vst v3;
	v1 =	vpop (erf)  }
0x76: {  	[tilespmem:$0x20C0] =	vst v0;
	v0 =	vmul.f32 v1, v2  }
0x77: {  	[tilespmem:$0x2140] =	vst v1  }
0x78: {  	s31 =	simm.s32 $0x50;
	[tilespmem:$0x21C0] =	vst v0  }
0x79: {  	v3 =	vld [tilespmem:s31+$0x0];
	_ =	sdelay $0x3  }
0x7a: {  	v4 =	vimm.f32 $-3.000000010e+38;
	v1 =	vimm.s32 $0x0  }
0x7b: {  	s16 =	simm.s32 $0x1;
	s17 =	simm.s32 $0xD0;
	s15 =	simm.s32 $0x0;
	v2 =	vimm.f32 $-3.000000010e+38;
	v0 =	vimm.s32 $0x0;
	vm0 =	vgt.f32 v3, v4  }
.LBB2_12:
0x7c: {  	v5 =	vld [tilespmem:s17+$0x0];
	p0 =	sne.s32 s16, $0x3F;
	v4 =	vsel vm0, v3, v4;
	v1 =	vsel vm0, s15, v1;
	vm0 =	vgt.f32 v3, v2;
	s18 =	smov.u32 s16;
	s16 =	sadd.s32 $0x1, s16  }
.Ltmp5:
0x7d: {  	v4 =	vsel vm0, v2, v4;
	v1 =	vsel vm0, v0, v1;
	v2 =	vsel vm0, v3, v2;
	(pc) =	sbr.rel @p0 .LBB2_12-.Ltmp5, $2  }
0x7e: {  	v0 =	vsel vm0, s15, v0;
	s15 =	smov.u32 s18;
	_ =	sdelay $0x2  }
0x7f: {  	s17 =	sadd.s32 $0x80, s17;
	vm0 =	vgt.f32 v5, v4;
	v3 =	vmov v5  }
0x80: {  	v4 =	vsel vm0, v3, v4;
	vm1 =	vgt.f32 v3, v2  }
0x81: {  	v4 =	vsel vm1, v2, v4;
	v2 =	vsel vm1, v3, v2  }
0x82: {  	v2 =	vsub.f32 v4, v2;
	_ =	sdelay $0x1  }
0x83: {  	v2 =	vmul.f32 $1.442695020e+00, v2;
	_ =	sdelay $0x1  }
0x84: {  	(erf) = vpow2.f32 v2;
	_ =	sdelay $0x8  }
0x85: {  	v2 =	vpop (erf)  }
0x86: {  	v3 =	vadd.f32 $1.000000000e+00, v2;
	_ =	sdelay $0x1  }
0x87: {  	(erf) = vrcp.f32 v3;
	_ =	sdelay $0x5  }
0x88: {  	v1 =	vsel vm0, s15, v1;
	_ =	sdelay $0x1  }
0x89: {  	v3 =	vsel vm1, s15, v0  }
0x8a: {  	v0 =	vsel vm1, v0, v1;
	[tilespmem:$0x2050] =	vst v3;
	v1 =	vpop (erf)  }
0x8b: {  	[tilespmem:$0x20D0] =	vst v0;
	v0 =	vmul.f32 v1, v2  }
0x8c: {  	[tilespmem:$0x2150] =	vst v1  }
0x8d: {  	s31 =	simm.s32 $0x60;
	[tilespmem:$0x21D0] =	vst v0  }
0x8e: {  	v3 =	vld [tilespmem:s31+$0x0];
	_ =	sdelay $0x3  }
0x8f: {  	v4 =	vimm.f32 $-3.000000010e+38;
	v1 =	vimm.s32 $0x0  }
0x90: {  	s16 =	simm.s32 $0x1;
	s17 =	simm.s32 $0xE0;
	s15 =	simm.s32 $0x0;
	v2 =	vimm.f32 $-3.000000010e+38;
	v0 =	vimm.s32 $0x0;
	vm0 =	vgt.f32 v3, v4  }
.LBB2_14:
0x91: {  	v5 =	vld [tilespmem:s17+$0x0];
	p0 =	sne.s32 s16, $0x3F;
	v4 =	vsel vm0, v3, v4;
	v1 =	vsel vm0, s15, v1;
	vm0 =	vgt.f32 v3, v2;
	s18 =	smov.u32 s16;
	s16 =	sadd.s32 $0x1, s16  }
.Ltmp6:
0x92: {  	v4 =	vsel vm0, v2, v4;
	v1 =	vsel vm0, v0, v1;
	v2 =	vsel vm0, v3, v2;
	(pc) =	sbr.rel @p0 .LBB2_14-.Ltmp6, $2  }
0x93: {  	v0 =	vsel vm0, s15, v0;
	s15 =	smov.u32 s18;
	_ =	sdelay $0x2  }
0x94: {  	s17 =	sadd.s32 $0x80, s17;
	vm0 =	vgt.f32 v5, v4;
	v3 =	vmov v5  }
0x95: {  	v4 =	vsel vm0, v3, v4;
	vm1 =	vgt.f32 v3, v2  }
0x96: {  	v4 =	vsel vm1, v2, v4;
	v2 =	vsel vm1, v3, v2  }
0x97: {  	v2 =	vsub.f32 v4, v2;
	_ =	sdelay $0x1  }
0x98: {  	v2 =	vmul.f32 $1.442695020e+00, v2;
	_ =	sdelay $0x1  }
0x99: {  	(erf) = vpow2.f32 v2;
	_ =	sdelay $0x8  }
0x9a: {  	v2 =	vpop (erf)  }
0x9b: {  	v3 =	vadd.f32 $1.000000000e+00, v2;
	_ =	sdelay $0x1  }
0x9c: {  	(erf) = vrcp.f32 v3;
	_ =	sdelay $0x5  }
0x9d: {  	v1 =	vsel vm0, s15, v1;
	_ =	sdelay $0x1  }
0x9e: {  	v3 =	vsel vm1, s15, v0  }
0x9f: {  	v0 =	vsel vm1, v0, v1;
	[tilespmem:$0x2060] =	vst v3;
	v1 =	vpop (erf)  }
0xa0: {  	[tilespmem:$0x20E0] =	vst v0;
	v0 =	vmul.f32 v1, v2  }
0xa1: {  	[tilespmem:$0x2160] =	vst v1  }
0xa2: {  	s31 =	simm.s32 $0x70;
	[tilespmem:$0x21E0] =	vst v0  }
0xa3: {  	v3 =	vld [tilespmem:s31+$0x0];
	_ =	sdelay $0x3  }
0xa4: {  	v4 =	vimm.f32 $-3.000000010e+38;
	v1 =	vimm.s32 $0x0  }
0xa5: {  	s16 =	simm.s32 $0x1;
	s17 =	simm.s32 $0xF0;
	s15 =	simm.s32 $0x0;
	v2 =	vimm.f32 $-3.000000010e+38;
	v0 =	vimm.s32 $0x0;
	vm0 =	vgt.f32 v3, v4  }
.LBB2_16:
0xa6: {  	v5 =	vld [tilespmem:s17+$0x0];
	p0 =	sne.s32 s16, $0x3F;
	v4 =	vsel vm0, v3, v4;
	v1 =	vsel vm0, s15, v1;
	vm0 =	vgt.f32 v3, v2;
	s18 =	smov.u32 s16;
	s16 =	sadd.s32 $0x1, s16  }
.Ltmp7:
0xa7: {  	v4 =	vsel vm0, v2, v4;
	v1 =	vsel vm0, v0, v1;
	v2 =	vsel vm0, v3, v2;
	(pc) =	sbr.rel @p0 .LBB2_16-.Ltmp7, $2  }
0xa8: {  	v0 =	vsel vm0, s15, v0;
	s15 =	smov.u32 s18;
	_ =	sdelay $0x2  }
0xa9: {  	s17 =	sadd.s32 $0x80, s17;
	vm0 =	vgt.f32 v5, v4;
	v3 =	vmov v5  }
0xaa: {  	v4 =	vsel vm0, v3, v4;
	vm1 =	vgt.f32 v3, v2  }
0xab: {  	v4 =	vsel vm1, v2, v4;
	v58 =	vsel vm1, v3, v2  }
0xac: {  	v2 =	vsub.f32 v4, v58;
	_ =	sdelay $0x1  }
0xad: {  	v2 =	vmul.f32 $1.442695020e+00, v2;
	_ =	sdelay $0x1  }
0xae: {  	(erf) = vpow2.f32 v2;
	_ =	sdelay $0x8  }
0xaf: {  	v2 =	vpop (erf)  }
0xb0: {  	v59 =	vadd.f32 $1.000000000e+00, v2;
	_ =	sdelay $0x1  }
0xb1: {  	(erf) = vrcp.f32 v59;
	_ =	sdelay $0x7  }
0xb2: {  	v1 =	vsel vm0, s15, v1;
	v60 =	vsel vm1, s15, v0  }
0xb3: {  	v61 =	vsel vm1, v0, v1;
	[tilespmem:$0x2070] =	vst v60;
	v62 =	vpop (erf)  }
0xb4: {  	[tilespmem:$0x20F0] =	vst v61;
	v63 =	vmul.f32 v62, v2  }
0xb5: {  	[tilespmem:$0x2170] =	vst v62  }
0xb6: {  	[tilespmem:$0x21F0] =	vst v63  }
0xb7: {  	[hbm4b:s4+s2] =	stream.linear.scatter [tilespmem:s10], [sflag:$0x1], $0x80, $0x38;
	[tilespmem:$0x2200] =	vst v63  }
0xb8: {  	_ =	swait.ge [sflag:s9], $0x80  }
0xb9: {  	[sflag:s9] =	ssyncset.done $0x0  }
0xba: {  	[sflag:s9] =	ssyncadd.s32 $0xFFFFFF80  }
0xbb: {  	[hbm4b:s5+s2] =	stream.linear.scatter [tilespmem:s11], [sflag:$0x1], $0x80, $0x38;
	[tilespmem:$0x2200] =	vst v63  }
0xbc: {  	_ =	swait.ge [sflag:s9], $0x80  }
0xbd: {  	[sflag:s9] =	ssyncset.done $0x0  }
0xbe: {  	[sflag:s9] =	ssyncadd.s32 $0xFFFFFF80  }
0xbf: {  	[hbm4b:s6+s2] =	stream.linear.scatter [tilespmem:s12], [sflag:$0x1], $0x80, $0x38;
	[tilespmem:$0x2200] =	vst v63  }
0xc0: {  	s14 =	sadd.s32 $0x1, s14;
	_ =	swait.ge [sflag:s9], $0x80  }
0xc1: {  	p0 =	sne.s32 s14, s8;
	[sflag:s9] =	ssyncset.done $0x0  }
.Ltmp8:
0xc2: {  	[sflag:s9] =	ssyncadd.s32 $0xFFFFFF80;
	(pc) =	sbr.rel @p0 .LBB2_1-.Ltmp8, $4  }
0xc3: {  	[hbm4b:s7+s2] =	stream.linear.scatter [tilespmem:s13], [sflag:$0x1], $0x80, $0x38;
	[tilespmem:$0x2200] =	vst v63  }
0xc4: {  	_ =	swait.ge [sflag:s9], $0x80  }
0xc5: {  	[sflag:s9] =	ssyncset.done $0x0  }
0xc6: {  	[sflag:s9] =	ssyncadd.s32 $0xFFFFFF80  }
0xc7: {  	_ =	sfence.sel $0x180000  }
0xc8: {  	[bflag:$0x0] =	sbarrier.arrive $0xFFFF  }
0xc9: {  	p0 =	sne.s32 s0, $0x0;
	_ =	strace $0x90000047  }
0xca: {  	s0 =	sadd.s32 @!p0 $0x100000, s1;
	[bflag:$0x2] =	sbarrier.arrive $0xFFFF  }
0xcb: {  	[sflag:s0] =	ssyncadd.tile.s32 @!p0 $0x1;
	_ =	shalt  }
.Lfunc_end2:
_tile_overlayer_lowered:
.L_overlay_start_2:
0xcc: {  	(tag) =	ssettag $0x2  }
0xcd: {  	s0 =	rddreg [dreg:$0x0];
	s2 =	stileid.u32  }
0xce: {  	s1 =	rddreg [dreg:$0x1];
	p0 =	sne.s32 s2, $0x0  }
0xcf: {  	s3 =	rddreg [dreg:$0x2];
	[bflag:$0x3] =	sbarrier.arrive $0xFFFF;
	s2 =	simm.s32 @!p0 $0x1C01  }
0xd0: {  	[timem:s3], [sflag:s2] =	dma.local @!p0 [hbm:s0], s1  }
0xd1: {  	s0 =	simm.s32 @!p0 $0x1  }
0xd2: {  	_ =	swait.ge @!p0 [sflag:s0], s1  }
0xd3: {  	s1 =	ssub.s32 @!p0 $0x0, s1;
	[sflag:s0] =	ssyncset.done @!p0 $0x0  }
0xd4: {  	[sflag:s0] =	ssyncadd.s32 @!p0 s1  }
0xd5: {  	[bflag:$0x3] =	sbarrier.arrive $0xFFFF  }
0xd6: {  	_ =	shalt  }

// kernel: kernel.9.cloned.1.call-start
scs
__scs_entry_jumppad:
0x0: {  	(pc) =	sbr.rel $0x88, $3  }
0x1: {  	(tag) =	ssettag $0x0;
	lr =	simm.s32 $0x1  }
0x2: {  	[smem:$0x3F9F] =	sst lr;
	_ =	strace $0xD0000000  }
0x3: {  	_ = 	snop  }
0x4: {  	_ = 	snop  }
0x5: {  	_ = 	snop  }
0x6: {  	_ = 	snop  }
0x7: {  	_ = 	snop  }
__scs_overlays_trampoline_lowered:
0x8: {  	[smem:$0x3FAE] =	sst s0  }
0x9: {  	[smem:$0x3FAF] =	sst s1  }
0xa: {  	[smem:$0x3FB0] =	sst s2  }
0xb: {  	[smem:$0x3FB1] =	sst s3  }
0xc: {  	[smem:$0x3FB2] =	sst s4  }
0xd: {  	[smem:$0x3FB3] =	sst s5  }
0xe: {  	[smem:$0x3FB4] =	sst s6  }
0xf: {  	[smem:$0x3FB5] =	sst s7  }
0x10: {  	[smem:$0x3FB6] =	sst s8  }
0x11: {  	[smem:$0x3FB7] =	sst s9;
	s0 =	simm.s32 @!p0 $0x0  }
0x12: {  	s1 =	sld [smem:$0x3F9D];
	s0 =	simm.s32 @p0 $0x1  }
0x13: {  	[smem:$0x3FB8] =	sst s0;
	s0 =	simm.s32 @!p1 $0x0  }
0x14: {  	s2 =	sld [smem:$0x3F9C];
	s0 =	simm.s32 @p1 $0x1  }
0x15: {  	[smem:$0x3FB9] =	sst s0;
	s0 =	simm.s32 @!p2 $0x0  }
0x16: {  	s3 =	sld [smem:$0x3FDB];
	s0 =	simm.s32 @p2 $0x1  }
0x17: {  	s4 =	simm.s32 $0x1BF5;
	[smem:$0x3FBB] =	sst s0  }
0x18: {  	s0 =	sld [smem:$0x3F9E];
	_ =	swait.ge [sflag:s4], $0x0  }
0x19: {  	s7 =	sld [smem:$0x3F9F]  }
0x1a: {  	s8 =	sadd.s32 $0xFFFFE003, lr  }
0x1b: {  	s9 =	sadd.s32 $0xFFFFFEF7, lr;
	s5 =	simm.s32 $0xFFFFFFFF;
	p2 =	slt.u32 s8, $0xFFFFF086  }
0x1c: {  	p1 =	slt.u32 s9, $0xF7A;
	s5 =	simm.s32 @!p2 $0x0  }
0x1d: {  	s5 =	simm.s32 @p1 $0x1;
	p0 =	seq.s32 s7, s2  }
0x1e: {  	s7 =	smul.u32 @!p0 $0xF7A, s2;
	p2 =	seq.s32 @!p0 s5, $0x0  }
0x1f: {  	s9 =	smul.u32 $0xF7A, s1;
	s8 =	simm.s32 @!p0 $0x1BF5;
	p2 =	por !p2, p0  }
0x20: {  	[sflag:s8] =	ssyncset.s32 @!p0 $0xFFFFF086;
	s6 =	sadd.s32 @!p0 s3, s7;
	s7 =	simm.s32 @!p0 $0x108  }
0x21: {  	s3 =	sadd.s32 s3, s9;
	s6 =	sadd.s32 @!p0 $0x88, s6;
	s7 =	simm.s32 @p2 $0x1082  }
0x22: {  	[simem:s7], [sflag:s8] =	dma.local @!p0 [hbm:s6], $0xF7A  }
0x23: {  	s9 =	sor.u32 $0xD0000000, s2;
	s6 =	simm.s32 $0x108;
	_ =	swait.ge @!p0 [sflag:s8], $0x0  }
0x24: {  	s3 =	sadd.s32 $0x88, s3;
	s6 =	simm.s32 @!p1 $0x1082;
	[sflag:s4] =	ssyncset.s32 $0xFFFFF086  }
0x25: {  	[simem:s6], [sflag:s4] =	dma.local [hbm:s3], $0xF7A  }
0x26: {  	[smem:$0x3F9F] =	sst s1;
	(tag) =	ssettag s2;
	_ =	strace s9  }
0x27: {  	s1 =	sld [smem:$0x3FAF]  }
0x28: {  	s2 =	sld [smem:$0x3FB0]  }
0x29: {  	s4 =	sld [smem:$0x3FB2]  }
0x2a: {  	p0 =	seq.s32 s5, $0x0;
	s5 =	sld [smem:$0x3FB3]  }
0x2b: {  	s6 =	sld [smem:$0x3FB4]  }
0x2c: {  	s7 =	sld [smem:$0x3FB5]  }
0x2d: {  	s3 =	simm.s32 $0x108;
	s8 =	sld [smem:$0x3FB6]  }
0x2e: {  	s3 =	simm.s32 @!p0 $0x1082;
	s9 =	sld [smem:$0x3FB7]  }
0x2f: {  	lr =	sadd.s32 s0, s3;
	s0 =	sld [smem:$0x3FAE]  }
0x30: {  	s3 =	sld [smem:$0x3FB1]  }
0x31: {  	[smem:$0x3FBA] =	sst s10  }
0x32: {  	s10 =	sld [smem:$0x3FB8];
	_ =	sdelay $0x3  }
0x33: {  	p0 =	seq.s32 s10, $0x1;
	s10 =	sld [smem:$0x3FBA];
	_ =	sdelay $0x3  }
0x34: {  	[smem:$0x3FBA] =	sst s10  }
0x35: {  	s10 =	sld [smem:$0x3FB9];
	_ =	sdelay $0x3  }
0x36: {  	p1 =	seq.s32 s10, $0x1;
	s10 =	sld [smem:$0x3FBA];
	_ =	sdelay $0x3  }
0x37: {  	[smem:$0x3FBA] =	sst s10  }
0x38: {  	s10 =	sld [smem:$0x3FBB]  }
0x39: {  	_ = 	snop;
	(pc) =	sbr.ind lr, $3  }
0x3a: {  	_ = 	snop  }
0x3b: {  	_ = 	snop  }
0x3c: {  	p2 =	seq.s32 s10, $0x1;
	s10 =	sld [smem:$0x3FBA]  }
0x3d: {  	_ =	shalt  }
0x3e: {  	_ =	shalt  }
0x3f: {  	_ =	shalt  }
0x40: {  	_ =	shalt  }
0x41: {  	_ =	shalt  }
0x42: {  	_ =	shalt  }
0x43: {  	_ =	shalt  }
0x44: {  	_ =	shalt  }
0x45: {  	_ =	shalt  }
0x46: {  	_ =	shalt  }
0x47: {  	_ =	shalt  }
0x48: {  	_ =	shalt  }
0x49: {  	_ =	shalt  }
0x4a: {  	_ =	shalt  }
0x4b: {  	_ =	shalt  }
0x4c: {  	_ =	shalt  }
0x4d: {  	_ =	shalt  }
0x4e: {  	_ =	shalt  }
0x4f: {  	_ =	shalt  }
0x50: {  	_ =	shalt  }
0x51: {  	_ =	shalt  }
0x52: {  	_ =	shalt  }
0x53: {  	_ =	shalt  }
0x54: {  	_ =	shalt  }
0x55: {  	_ =	shalt  }
0x56: {  	_ =	shalt  }
0x57: {  	_ =	shalt  }
0x58: {  	_ =	shalt  }
0x59: {  	_ =	shalt  }
0x5a: {  	_ =	shalt  }
0x5b: {  	_ =	shalt  }
0x5c: {  	_ =	shalt  }
0x5d: {  	_ =	shalt  }
0x5e: {  	_ =	shalt  }
0x5f: {  	_ =	shalt  }
0x60: {  	_ =	shalt  }
0x61: {  	_ =	shalt  }
0x62: {  	_ =	shalt  }
0x63: {  	_ =	shalt  }
0x64: {  	_ =	shalt  }
0x65: {  	_ =	shalt  }
0x66: {  	_ =	shalt  }
0x67: {  	_ =	shalt  }
0x68: {  	_ =	shalt  }
0x69: {  	_ =	shalt  }
0x6a: {  	_ =	shalt  }
0x6b: {  	_ =	shalt  }
0x6c: {  	_ =	shalt  }
0x6d: {  	_ =	shalt  }
0x6e: {  	_ =	shalt  }
0x6f: {  	_ =	shalt  }
0x70: {  	_ =	shalt  }
0x71: {  	_ =	shalt  }
0x72: {  	_ =	shalt  }
0x73: {  	_ =	shalt  }
0x74: {  	_ =	shalt  }
0x75: {  	_ =	shalt  }
0x76: {  	_ =	shalt  }
0x77: {  	_ =	shalt  }
0x78: {  	_ =	shalt  }
0x79: {  	_ =	shalt  }
0x7a: {  	_ =	shalt  }
0x7b: {  	_ =	shalt  }
0x7c: {  	_ =	shalt  }
0x7d: {  	_ =	shalt  }
0x7e: {  	_ =	shalt  }
0x7f: {  	_ =	shalt  }
0x80: {  	_ =	shalt  }
0x81: {  	_ =	shalt  }
0x82: {  	_ =	shalt  }
0x83: {  	_ =	shalt  }
0x84: {  	_ =	shalt  }
0x85: {  	_ =	shalt  }
0x86: {  	_ =	shalt  }
0x87: {  	_ =	shalt  }
.Lfunc_end0:
.L_simem_size_0:
called_computation.1_lowered:
.L_overlay_start_0:
0x88: {  	s2 =	sld [smem:$0x3FD9]  }
0x89: {  	s3 =	sld [smem:$0x3FFE];
	_ =	sdelay $0x1  }
0x8a: {  	s1 =	srdreg.scid  }
0x8b: {  	s0 =	sand.u32 $0x1, s1  }
0x8c: {  	s15 =	sshll.u32 s0, $0xA;
	s2 =	sadd.s32 s3, s2  }
0x8d: {  	s2 =	sadd.s32 s2, s15  }
0x8e: {  	[smem:$0x3FC6] =	sst s2  }
0x8f: {  	_ = 	snop  }
0x90: {  	s2 =	sld [smem:$0x3FD0];
	_ =	sdelay $0x2  }
0x91: {  	s4 =	simm.s32 $0xB;
	s16 =	simm.s32 $0x10  }
0x92: {  	[smem:s16], [sflag:s4] =	dma.local [hbm:s2], $0x1  }
0x93: {  	_ =	swait.eq [sflag:s4], $0x1  }
0x94: {  	[sflag:s4] =	ssyncset.done $0x0  }
0x95: {  	s17 =	sld [smem:$0x10];
	[sflag:s4] =	ssyncadd.s32 $0xFFFFFFFF  }
0x96: {  	s18 =	sld [smem:$0x11];
	(tm) =	ssettm $0x1  }
0x97: {  	s19 =	sld [smem:$0x3FFB];
	_ =	sdelay $0x3  }
0x98: {  	_ =	strace s19  }
0x99: {  	s2 =	sld [smem:$0x3FFC];
	_ =	sdelay $0x3  }
0x9a: {  	_ =	strace s2  }
0x9b: {  	s2 =	sld [smem:$0x3FFD];
	_ =	sdelay $0x3  }
0x9c: {  	_ =	strace s2  }
0x9d: {  	_ =	strace $0x8FFFFFFF  }
0x9e: {  	s20 =	sld [smem:$0x3FDB];
	_ =	sdelay $0x1  }
0x9f: {  	s5 =	simm.s32 $_scs_section_size  }
0xa0: {  	s6 =	simm.s32 $_size__tile_overlayer_lowered;
	s7 =	simm.s32 $_tile_overlayer_lowered  }
0xa1: {  	s8 =	simm.s32 $0x1BFF;
	s21 =	sshll.u32 s7, $0x1;
	s5 =	sadd.s32 s5, s20  }
0xa2: {  	s22 =	simm.s32 $0x0;
	s6 =	sshll.u32 s6, $0x1;
	s7 =	sadd.s32 s21, s5  }
0xa3: {  	[timem:s22], [sflag:s8] =	dma.local [hbm:s7], s6  }
0xa4: {  	_ =	swait.ge [sflag:s8], s6  }
0xa5: {  	s6 =	ssub.s32 $0x0, s6;
	[sflag:s8] =	ssyncset.done $0x0  }
0xa6: {  	[sflag:s8] =	ssyncadd.s32 s6;
	_ =	sdelay $0x1  }
0xa7: {  	s23 =	simm.s32 $0x1B8B  }
0xa8: {  	_ =	swait.ge [sflag:s23], $0x1  }
0xa9: {  	[sflag:s23] =	ssyncset.done $0x0  }
0xaa: {  	[sflag:s23] =	ssyncadd.s32 $0xFFFFFFFF  }
0xab: {  	s6 =	sld [smem:$0x0]  }
0xac: {  	s7 =	sand.u32 $0xFFFFFFFE, s1  }
0xad: {  	p0 =	sne.s32 s1, s7  }
0xae: {  	s7 =	sshll.u32 @p0 s7, $0xE  }
0xaf: {  	s7 =	sadd.s32 @p0 $0x11B8D, s7;
	s8 =	sshll.u32 @p0 s6, $0x11  }
0xb0: {  	s7 =	sor.u32 @p0 s8, s7  }
0xb1: {  	[sflag:s7] =	ssyncadd.remote.s32 @p0 $0x1;
	_ =	sdelay $0x1  }
0xb2: {  	s7 =	simm.s32 @p0 $0x1B8D  }
0xb3: {  	_ =	swait.eq @p0 [sflag:s7], $0x1  }
0xb4: {  	[sflag:s7] =	ssyncadd.s32 @p0 $0xFFFFFFFF  }
0xb5: {  	s8 =	sshll.u32 @!p0 s1, $0xE  }
0xb6: {  	s8 =	sor.u32 @!p0 $0x4000, s8;
	s7 =	simm.s32 @!p0 $0x1B8D  }
0xb7: {  	s6 =	sshll.u32 @!p0 s6, $0x11;
	s8 =	sadd.s32 @!p0 $0x11B8D, s8;
	_ =	swait.eq @!p0 [sflag:s7], $0x1  }
0xb8: {  	s6 =	sor.u32 @!p0 s6, s8;
	[sflag:s7] =	ssyncadd.s32 @!p0 $0xFFFFFFFF  }
0xb9: {  	s25 =	simm.s32 $0x1B8E;
	s24 =	sld [smem:$0x3FFE];
	[sflag:s6] =	ssyncadd.remote.s32 @!p0 $0x1  }
0xba: {  	s26 =	simm.s32 $execute0_lowered;
	[smem:$0x3FD2] =	sst s25  }
0xbb: {  	s7 =	sshll.u32 s26, $0x1;
	_ =	strace $0x80000049;
	[dreg:$0x1] =	wrdreg $0xFFFFFFFF  }
0xbc: {  	s28 =	simm.s32 $_size_execute0_lowered;
	s5 =	sadd.s32 s5, s7;
	[dreg:$0x0] =	wrdreg $0x0  }
0xbd: {  	s7 =	sshll.u32 s28, $0x1;
	[dreg:$0x2] =	wrdreg s5  }
0xbe: {  	[dreg:$0x3] =	wrdreg s7  }
0xbf: {  	[dreg:$0x4] =	wrdreg $0xC0  }
0xc0: {  	_ =	task [dreg:s22], $0x5FFFF  }
0xc1: {  	[dreg:$0x1] =	wrdreg $0xFFFFFFFF  }
0xc2: {  	[dreg:$0x0] =	wrdreg $0x60  }
0xc3: {  	[dreg:$0x2] =	wrdreg s24  }
0xc4: {  	[dreg:$0x3] =	wrdreg s18  }
0xc5: {  	[dreg:$0x4] =	wrdreg s17  }
0xc6: {  	[dreg:$0x5] =	wrdreg $0xA  }
0xc7: {  	_ =	task.clear_ibuf [dreg:s22], $0x6FFFF;
	_ =	strace $0x90000049  }
0xc8: {  	s29 =	simm.s32 $0xA;
	_ =	strace $0x8000004B  }
0xc9: {  	_ =	swait.ge [sflag:s29], $0x1  }
0xca: {  	[sflag:s29] =	ssyncadd.s32 $0xFFFFFFFF  }
0xcb: {  	_ =	strace $0x9000004B  }
0xcc: {  	_ =	sfence  }
0xcd: {  	s30 =	sld [smem:$0x0];
	_ =	sdelay $0x2  }
0xce: {  	s31 =	sshll.u32 s1, $0xD;
	s1 =	sshrl.u32 s1, $0x2  }
0xcf: {  	s4 =	sand.u32 $0x4000, s31;
	s1 =	sadd.s32 s1, s30  }
0xd0: {  	s0 =	sor.u32 s4, s0;
	s1 =	sshll.u32 s1, $0x11  }
0xd1: {  	s0 =	sor.u32 s1, s0  }
0xd2: {  	s0 =	sadd.s32 $0x8F2B, s0  }
0xd3: {  	[sflag:s0] =	ssyncadd.remote.s32 $0x1  }
0xd4: {  	_ =	sfence.sel $0xFFFF  }
0xd5: {  	[dreg:$0x0] =	wrdreg $0xFFFFFFFF;
	(pc) =	sbr.abs _section_cstart, $3  }
0xd6: {  	[dreg:$0x1] =	wrdreg $0xFFFFFFFF  }
0xd7: {  	_ =	task.clear_ibuf [dreg:s22], $0x2FFFF;
	_ =	strace $0x9FFFFFFF  }
0xd8: {  	(tm) =	ssettm $0x7FFFFFFF  }
0xd9: {  	_ =	shalt  }
tec
execute0_lowered:
.L_overlay_start_1:
0x0: {  	(tag) =	ssettag $0x1  }
0x1: {  	s3 =	rddreg [dreg:$0x0]  }
0x2: {  	s5 =	rddreg [dreg:$0x1]  }
0x3: {  	s7 =	rddreg [dreg:$0x2]  }
0x4: {  	s0 =	rddreg [dreg:$0x3]  }
0x5: {  	s2 =	simm.s32 $0x0;
	s4 =	srdreg.scid;
	s1 =	stileid.u32  }
0x6: {  	s10 =	simm.s32 $0x2000;
	s11 =	simm.s32 $0x2080;
	s12 =	simm.s32 $0x2100  }
0x7: {  	s13 =	simm.s32 $0x2180;
	s4 =	sand.u32 $0x1, s4;
	s6 =	sshll.u32 s1, $0x1  }
0x8: {  	s14 =	simm.s32 $0x0;
	[smem:$0x7FF] =	sst s2;
	s6 =	sor.u32 s4, s6  }
0x9: {  	_ =	strace $0x8000004A;
	s4 =	ssub.s32 $0x2, s4;
	s8 =	sshll.u32 s6, $0xA  }
0xa: {  	s9 =	sshrl.u32 s4, $0x1;
	s6 =	sshll.u32 s6, $0x5;
	s3 =	sadd.s32 s8, s3  }
0xb: {  	s30 =	ssub.s32 s4, s9;
	s31 =	sor.u32 $0x10, s6;
	s4 =	sadd.s32 s5, s6  }
0xc: {  	s6 =	sadd.s32 s7, s6;
	s9 =	simm.s32 $0x1;
	s3 =	sadd.s32 $0xA200, s3  }
0xd: {  	s5 =	sadd.s32 s5, s31;
	s7 =	sadd.s32 s7, s31;
	s8 =	smax.u32 s30, $0x1  }
.LBB2_1:
0xe: {  	[tilespmem:s2], [sflag:$0x1] =	stream.linear.gather [hbm4b:s3+s2], $0x2000, $0x38;
	[tilespmem:$0x2200] =	vst v63  }
0xf: {  	_ =	swait.ge [sflag:s9], $0x2000  }
0x10: {  	[sflag:s9] =	ssyncset.done $0x0  }
0x11: {  	[sflag:s9] =	ssyncadd.s32 $0xFFFFE000  }
0x12: {  	v3 =	vld [tilespmem:s2+$0x0];
	_ =	sdelay $0x3  }
0x13: {  	v4 =	vimm.f32 $-3.000000010e+38;
	v1 =	vimm.s32 $0x0  }
0x14: {  	s16 =	simm.s32 $0x1;
	s17 =	simm.s32 $0x80;
	s15 =	simm.s32 $0x0;
	v2 =	vimm.f32 $-3.000000010e+38;
	v0 =	vimm.s32 $0x0;
	vm0 =	vgt.f32 v3, v4  }
.LBB2_2:
0x15: {  	v5 =	vld [tilespmem:s17+$0x0];
	p0 =	sne.s32 s16, $0x3F;
	v4 =	vsel vm0, v3, v4;
	v1 =	vsel vm0, s15, v1;
	vm0 =	vgt.f32 v3, v2;
	s18 =	smov.u32 s16;
	s16 =	sadd.s32 $0x1, s16  }
.Ltmp0:
0x16: {  	v4 =	vsel vm0, v2, v4;
	v1 =	vsel vm0, v0, v1;
	v2 =	vsel vm0, v3, v2;
	(pc) =	sbr.rel @p0 .LBB2_2-.Ltmp0, $2  }
0x17: {  	v0 =	vsel vm0, s15, v0;
	s15 =	smov.u32 s18;
	_ =	sdelay $0x2  }
0x18: {  	s17 =	sadd.s32 $0x80, s17;
	vm0 =	vgt.f32 v5, v4;
	v3 =	vmov v5  }
0x19: {  	v4 =	vsel vm0, v3, v4;
	vm1 =	vgt.f32 v3, v2  }
0x1a: {  	v4 =	vsel vm1, v2, v4;
	v2 =	vsel vm1, v3, v2  }
0x1b: {  	v2 =	vsub.f32 v4, v2;
	_ =	sdelay $0x1  }
0x1c: {  	v2 =	vmul.f32 $1.442695020e+00, v2;
	_ =	sdelay $0x1  }
0x1d: {  	(erf) = vpow2.f32 v2;
	_ =	sdelay $0x8  }
0x1e: {  	v2 =	vpop (erf)  }
0x1f: {  	v3 =	vadd.f32 $1.000000000e+00, v2;
	_ =	sdelay $0x1  }
0x20: {  	(erf) = vrcp.f32 v3;
	_ =	sdelay $0x5  }
0x21: {  	v1 =	vsel vm0, s15, v1;
	_ =	sdelay $0x1  }
0x22: {  	v3 =	vsel vm1, s15, v0  }
0x23: {  	v0 =	vsel vm1, v0, v1;
	[tilespmem:$0x2000] =	vst v3;
	v1 =	vpop (erf)  }
0x24: {  	[tilespmem:$0x2080] =	vst v0;
	v0 =	vmul.f32 v1, v2  }
0x25: {  	[tilespmem:$0x2100] =	vst v1  }
0x26: {  	s31 =	simm.s32 $0x10;
	[tilespmem:$0x2180] =	vst v0  }
0x27: {  	v3 =	vld [tilespmem:s31+$0x0];
	_ =	sdelay $0x3  }
0x28: {  	v4 =	vimm.f32 $-3.000000010e+38;
	v1 =	vimm.s32 $0x0  }
0x29: {  	s16 =	simm.s32 $0x1;
	s17 =	simm.s32 $0x90;
	s15 =	simm.s32 $0x0;
	v2 =	vimm.f32 $-3.000000010e+38;
	v0 =	vimm.s32 $0x0;
	vm0 =	vgt.f32 v3, v4  }
.LBB2_4:
0x2a: {  	v5 =	vld [tilespmem:s17+$0x0];
	p0 =	sne.s32 s16, $0x3F;
	v4 =	vsel vm0, v3, v4;
	v1 =	vsel vm0, s15, v1;
	vm0 =	vgt.f32 v3, v2;
	s18 =	smov.u32 s16;
	s16 =	sadd.s32 $0x1, s16  }
.Ltmp1:
0x2b: {  	v4 =	vsel vm0, v2, v4;
	v1 =	vsel vm0, v0, v1;
	v2 =	vsel vm0, v3, v2;
	(pc) =	sbr.rel @p0 .LBB2_4-.Ltmp1, $2  }
0x2c: {  	v0 =	vsel vm0, s15, v0;
	s15 =	smov.u32 s18;
	_ =	sdelay $0x2  }
0x2d: {  	s17 =	sadd.s32 $0x80, s17;
	vm0 =	vgt.f32 v5, v4;
	v3 =	vmov v5  }
0x2e: {  	v4 =	vsel vm0, v3, v4;
	vm1 =	vgt.f32 v3, v2  }
0x2f: {  	v4 =	vsel vm1, v2, v4;
	v2 =	vsel vm1, v3, v2  }
0x30: {  	v2 =	vsub.f32 v4, v2;
	_ =	sdelay $0x1  }
0x31: {  	v2 =	vmul.f32 $1.442695020e+00, v2;
	_ =	sdelay $0x1  }
0x32: {  	(erf) = vpow2.f32 v2;
	_ =	sdelay $0x8  }
0x33: {  	v2 =	vpop (erf)  }
0x34: {  	v3 =	vadd.f32 $1.000000000e+00, v2;
	_ =	sdelay $0x1  }
0x35: {  	(erf) = vrcp.f32 v3;
	_ =	sdelay $0x5  }
0x36: {  	v1 =	vsel vm0, s15, v1;
	_ =	sdelay $0x1  }
0x37: {  	v3 =	vsel vm1, s15, v0  }
0x38: {  	v0 =	vsel vm1, v0, v1;
	[tilespmem:$0x2010] =	vst v3;
	v1 =	vpop (erf)  }
0x39: {  	[tilespmem:$0x2090] =	vst v0;
	v0 =	vmul.f32 v1, v2  }
0x3a: {  	[tilespmem:$0x2110] =	vst v1  }
0x3b: {  	s31 =	simm.s32 $0x20;
	[tilespmem:$0x2190] =	vst v0  }
0x3c: {  	v3 =	vld [tilespmem:s31+$0x0];
	_ =	sdelay $0x3  }
0x3d: {  	v4 =	vimm.f32 $-3.000000010e+38;
	v1 =	vimm.s32 $0x0  }
0x3e: {  	s16 =	simm.s32 $0x1;
	s17 =	simm.s32 $0xA0;
	s15 =	simm.s32 $0x0;
	v2 =	vimm.f32 $-3.000000010e+38;
	v0 =	vimm.s32 $0x0;
	vm0 =	vgt.f32 v3, v4  }
.LBB2_6:
0x3f: {  	v5 =	vld [tilespmem:s17+$0x0];
	p0 =	sne.s32 s16, $0x3F;
	v4 =	vsel vm0, v3, v4;
	v1 =	vsel vm0, s15, v1;
	vm0 =	vgt.f32 v3, v2;
	s18 =	smov.u32 s16;
	s16 =	sadd.s32 $0x1, s16  }
.Ltmp2:
0x40: {  	v4 =	vsel vm0, v2, v4;
	v1 =	vsel vm0, v0, v1;
	v2 =	vsel vm0, v3, v2;
	(pc) =	sbr.rel @p0 .LBB2_6-.Ltmp2, $2  }
0x41: {  	v0 =	vsel vm0, s15, v0;
	s15 =	smov.u32 s18;
	_ =	sdelay $0x2  }
0x42: {  	s17 =	sadd.s32 $0x80, s17;
	vm0 =	vgt.f32 v5, v4;
	v3 =	vmov v5  }
0x43: {  	v4 =	vsel vm0, v3, v4;
	vm1 =	vgt.f32 v3, v2  }
0x44: {  	v4 =	vsel vm1, v2, v4;
	v2 =	vsel vm1, v3, v2  }
0x45: {  	v2 =	vsub.f32 v4, v2;
	_ =	sdelay $0x1  }
0x46: {  	v2 =	vmul.f32 $1.442695020e+00, v2;
	_ =	sdelay $0x1  }
0x47: {  	(erf) = vpow2.f32 v2;
	_ =	sdelay $0x8  }
0x48: {  	v2 =	vpop (erf)  }
0x49: {  	v3 =	vadd.f32 $1.000000000e+00, v2;
	_ =	sdelay $0x1  }
0x4a: {  	(erf) = vrcp.f32 v3;
	_ =	sdelay $0x5  }
0x4b: {  	v1 =	vsel vm0, s15, v1;
	_ =	sdelay $0x1  }
0x4c: {  	v3 =	vsel vm1, s15, v0  }
0x4d: {  	v0 =	vsel vm1, v0, v1;
	[tilespmem:$0x2020] =	vst v3;
	v1 =	vpop (erf)  }
0x4e: {  	[tilespmem:$0x20A0] =	vst v0;
	v0 =	vmul.f32 v1, v2  }
0x4f: {  	[tilespmem:$0x2120] =	vst v1  }
0x50: {  	s31 =	simm.s32 $0x30;
	[tilespmem:$0x21A0] =	vst v0  }
0x51: {  	v3 =	vld [tilespmem:s31+$0x0];
	_ =	sdelay $0x3  }
0x52: {  	v4 =	vimm.f32 $-3.000000010e+38;
	v1 =	vimm.s32 $0x0  }
0x53: {  	s16 =	simm.s32 $0x1;
	s17 =	simm.s32 $0xB0;
	s15 =	simm.s32 $0x0;
	v2 =	vimm.f32 $-3.000000010e+38;
	v0 =	vimm.s32 $0x0;
	vm0 =	vgt.f32 v3, v4  }
.LBB2_8:
0x54: {  	v5 =	vld [tilespmem:s17+$0x0];
	p0 =	sne.s32 s16, $0x3F;
	v4 =	vsel vm0, v3, v4;
	v1 =	vsel vm0, s15, v1;
	vm0 =	vgt.f32 v3, v2;
	s18 =	smov.u32 s16;
	s16 =	sadd.s32 $0x1, s16  }
.Ltmp3:
0x55: {  	v4 =	vsel vm0, v2, v4;
	v1 =	vsel vm0, v0, v1;
	v2 =	vsel vm0, v3, v2;
	(pc) =	sbr.rel @p0 .LBB2_8-.Ltmp3, $2  }
0x56: {  	v0 =	vsel vm0, s15, v0;
	s15 =	smov.u32 s18;
	_ =	sdelay $0x2  }
0x57: {  	s17 =	sadd.s32 $0x80, s17;
	vm0 =	vgt.f32 v5, v4;
	v3 =	vmov v5  }
0x58: {  	v4 =	vsel vm0, v3, v4;
	vm1 =	vgt.f32 v3, v2  }
0x59: {  	v4 =	vsel vm1, v2, v4;
	v2 =	vsel vm1, v3, v2  }
0x5a: {  	v2 =	vsub.f32 v4, v2;
	_ =	sdelay $0x1  }
0x5b: {  	v2 =	vmul.f32 $1.442695020e+00, v2;
	_ =	sdelay $0x1  }
0x5c: {  	(erf) = vpow2.f32 v2;
	_ =	sdelay $0x8  }
0x5d: {  	v2 =	vpop (erf)  }
0x5e: {  	v3 =	vadd.f32 $1.000000000e+00, v2;
	_ =	sdelay $0x1  }
0x5f: {  	(erf) = vrcp.f32 v3;
	_ =	sdelay $0x5  }
0x60: {  	v1 =	vsel vm0, s15, v1;
	_ =	sdelay $0x1  }
0x61: {  	v3 =	vsel vm1, s15, v0  }
0x62: {  	v0 =	vsel vm1, v0, v1;
	[tilespmem:$0x2030] =	vst v3;
	v1 =	vpop (erf)  }
0x63: {  	[tilespmem:$0x20B0] =	vst v0;
	v0 =	vmul.f32 v1, v2  }
0x64: {  	[tilespmem:$0x2130] =	vst v1  }
0x65: {  	s31 =	simm.s32 $0x40;
	[tilespmem:$0x21B0] =	vst v0  }
0x66: {  	v3 =	vld [tilespmem:s31+$0x0];
	_ =	sdelay $0x3  }
0x67: {  	v4 =	vimm.f32 $-3.000000010e+38;
	v1 =	vimm.s32 $0x0  }
0x68: {  	s16 =	simm.s32 $0x1;
	s17 =	simm.s32 $0xC0;
	s15 =	simm.s32 $0x0;
	v2 =	vimm.f32 $-3.000000010e+38;
	v0 =	vimm.s32 $0x0;
	vm0 =	vgt.f32 v3, v4  }
.LBB2_10:
0x69: {  	v5 =	vld [tilespmem:s17+$0x0];
	p0 =	sne.s32 s16, $0x3F;
	v4 =	vsel vm0, v3, v4;
	v1 =	vsel vm0, s15, v1;
	vm0 =	vgt.f32 v3, v2;
	s18 =	smov.u32 s16;
	s16 =	sadd.s32 $0x1, s16  }
.Ltmp4:
0x6a: {  	v4 =	vsel vm0, v2, v4;
	v1 =	vsel vm0, v0, v1;
	v2 =	vsel vm0, v3, v2;
	(pc) =	sbr.rel @p0 .LBB2_10-.Ltmp4, $2  }
0x6b: {  	v0 =	vsel vm0, s15, v0;
	s15 =	smov.u32 s18;
	_ =	sdelay $0x2  }
0x6c: {  	s17 =	sadd.s32 $0x80, s17;
	vm0 =	vgt.f32 v5, v4;
	v3 =	vmov v5  }
0x6d: {  	v4 =	vsel vm0, v3, v4;
	vm1 =	vgt.f32 v3, v2  }
0x6e: {  	v4 =	vsel vm1, v2, v4;
	v2 =	vsel vm1, v3, v2  }
0x6f: {  	v2 =	vsub.f32 v4, v2;
	_ =	sdelay $0x1  }
0x70: {  	v2 =	vmul.f32 $1.442695020e+00, v2;
	_ =	sdelay $0x1  }
0x71: {  	(erf) = vpow2.f32 v2;
	_ =	sdelay $0x8  }
0x72: {  	v2 =	vpop (erf)  }
0x73: {  	v3 =	vadd.f32 $1.000000000e+00, v2;
	_ =	sdelay $0x1  }
0x74: {  	(erf) = vrcp.f32 v3;
	_ =	sdelay $0x5  }
0x75: {  	v1 =	vsel vm0, s15, v1;
	_ =	sdelay $0x1  }
0x76: {  	v3 =	vsel vm1, s15, v0  }
0x77: {  	v0 =	vsel vm1, v0, v1;
	[tilespmem:$0x2040] =	vst v3;
	v1 =	vpop (erf)  }
0x78: {  	[tilespmem:$0x20C0] =	vst v0;
	v0 =	vmul.f32 v1, v2  }
0x79: {  	[tilespmem:$0x2140] =	vst v1  }
0x7a: {  	s31 =	simm.s32 $0x50;
	[tilespmem:$0x21C0] =	vst v0  }
0x7b: {  	v3 =	vld [tilespmem:s31+$0x0];
	_ =	sdelay $0x3  }
0x7c: {  	v4 =	vimm.f32 $-3.000000010e+38;
	v1 =	vimm.s32 $0x0  }
0x7d: {  	s16 =	simm.s32 $0x1;
	s17 =	simm.s32 $0xD0;
	s15 =	simm.s32 $0x0;
	v2 =	vimm.f32 $-3.000000010e+38;
	v0 =	vimm.s32 $0x0;
	vm0 =	vgt.f32 v3, v4  }
.LBB2_12:
0x7e: {  	v5 =	vld [tilespmem:s17+$0x0];
	p0 =	sne.s32 s16, $0x3F;
	v4 =	vsel vm0, v3, v4;
	v1 =	vsel vm0, s15, v1;
	vm0 =	vgt.f32 v3, v2;
	s18 =	smov.u32 s16;
	s16 =	sadd.s32 $0x1, s16  }
.Ltmp5:
0x7f: {  	v4 =	vsel vm0, v2, v4;
	v1 =	vsel vm0, v0, v1;
	v2 =	vsel vm0, v3, v2;
	(pc) =	sbr.rel @p0 .LBB2_12-.Ltmp5, $2  }
0x80: {  	v0 =	vsel vm0, s15, v0;
	s15 =	smov.u32 s18;
	_ =	sdelay $0x2  }
0x81: {  	s17 =	sadd.s32 $0x80, s17;
	vm0 =	vgt.f32 v5, v4;
	v3 =	vmov v5  }
0x82: {  	v4 =	vsel vm0, v3, v4;
	vm1 =	vgt.f32 v3, v2  }
0x83: {  	v4 =	vsel vm1, v2, v4;
	v2 =	vsel vm1, v3, v2  }
0x84: {  	v2 =	vsub.f32 v4, v2;
	_ =	sdelay $0x1  }
0x85: {  	v2 =	vmul.f32 $1.442695020e+00, v2;
	_ =	sdelay $0x1  }
0x86: {  	(erf) = vpow2.f32 v2;
	_ =	sdelay $0x8  }
0x87: {  	v2 =	vpop (erf)  }
0x88: {  	v3 =	vadd.f32 $1.000000000e+00, v2;
	_ =	sdelay $0x1  }
0x89: {  	(erf) = vrcp.f32 v3;
	_ =	sdelay $0x5  }
0x8a: {  	v1 =	vsel vm0, s15, v1;
	_ =	sdelay $0x1  }
0x8b: {  	v3 =	vsel vm1, s15, v0  }
0x8c: {  	v0 =	vsel vm1, v0, v1;
	[tilespmem:$0x2050] =	vst v3;
	v1 =	vpop (erf)  }
0x8d: {  	[tilespmem:$0x20D0] =	vst v0;
	v0 =	vmul.f32 v1, v2  }
0x8e: {  	[tilespmem:$0x2150] =	vst v1  }
0x8f: {  	s31 =	simm.s32 $0x60;
	[tilespmem:$0x21D0] =	vst v0  }
0x90: {  	v3 =	vld [tilespmem:s31+$0x0];
	_ =	sdelay $0x3  }
0x91: {  	v4 =	vimm.f32 $-3.000000010e+38;
	v1 =	vimm.s32 $0x0  }
0x92: {  	s16 =	simm.s32 $0x1;
	s17 =	simm.s32 $0xE0;
	s15 =	simm.s32 $0x0;
	v2 =	vimm.f32 $-3.000000010e+38;
	v0 =	vimm.s32 $0x0;
	vm0 =	vgt.f32 v3, v4  }
.LBB2_14:
0x93: {  	v5 =	vld [tilespmem:s17+$0x0];
	p0 =	sne.s32 s16, $0x3F;
	v4 =	vsel vm0, v3, v4;
	v1 =	vsel vm0, s15, v1;
	vm0 =	vgt.f32 v3, v2;
	s18 =	smov.u32 s16;
	s16 =	sadd.s32 $0x1, s16  }
.Ltmp6:
0x94: {  	v4 =	vsel vm0, v2, v4;
	v1 =	vsel vm0, v0, v1;
	v2 =	vsel vm0, v3, v2;
	(pc) =	sbr.rel @p0 .LBB2_14-.Ltmp6, $2  }
0x95: {  	v0 =	vsel vm0, s15, v0;
	s15 =	smov.u32 s18;
	_ =	sdelay $0x2  }
0x96: {  	s17 =	sadd.s32 $0x80, s17;
	vm0 =	vgt.f32 v5, v4;
	v3 =	vmov v5  }
0x97: {  	v4 =	vsel vm0, v3, v4;
	vm1 =	vgt.f32 v3, v2  }
0x98: {  	v4 =	vsel vm1, v2, v4;
	v2 =	vsel vm1, v3, v2  }
0x99: {  	v2 =	vsub.f32 v4, v2;
	_ =	sdelay $0x1  }
0x9a: {  	v2 =	vmul.f32 $1.442695020e+00, v2;
	_ =	sdelay $0x1  }
0x9b: {  	(erf) = vpow2.f32 v2;
	_ =	sdelay $0x8  }
0x9c: {  	v2 =	vpop (erf)  }
0x9d: {  	v3 =	vadd.f32 $1.000000000e+00, v2;
	_ =	sdelay $0x1  }
0x9e: {  	(erf) = vrcp.f32 v3;
	_ =	sdelay $0x5  }
0x9f: {  	v1 =	vsel vm0, s15, v1;
	_ =	sdelay $0x1  }
0xa0: {  	v3 =	vsel vm1, s15, v0  }
0xa1: {  	v0 =	vsel vm1, v0, v1;
	[tilespmem:$0x2060] =	vst v3;
	v1 =	vpop (erf)  }
0xa2: {  	[tilespmem:$0x20E0] =	vst v0;
	v0 =	vmul.f32 v1, v2  }
0xa3: {  	[tilespmem:$0x2160] =	vst v1  }
0xa4: {  	s31 =	simm.s32 $0x70;
	[tilespmem:$0x21E0] =	vst v0  }
0xa5: {  	v3 =	vld [tilespmem:s31+$0x0];
	_ =	sdelay $0x3  }
0xa6: {  	v4 =	vimm.f32 $-3.000000010e+38;
	v1 =	vimm.s32 $0x0  }
0xa7: {  	s16 =	simm.s32 $0x1;
	s17 =	simm.s32 $0xF0;
	s15 =	simm.s32 $0x0;
	v2 =	vimm.f32 $-3.000000010e+38;
	v0 =	vimm.s32 $0x0;
	vm0 =	vgt.f32 v3, v4  }
.LBB2_16:
0xa8: {  	v5 =	vld [tilespmem:s17+$0x0];
	p0 =	sne.s32 s16, $0x3F;
	v4 =	vsel vm0, v3, v4;
	v1 =	vsel vm0, s15, v1;
	vm0 =	vgt.f32 v3, v2;
	s18 =	smov.u32 s16;
	s16 =	sadd.s32 $0x1, s16  }
.Ltmp7:
0xa9: {  	v4 =	vsel vm0, v2, v4;
	v1 =	vsel vm0, v0, v1;
	v2 =	vsel vm0, v3, v2;
	(pc) =	sbr.rel @p0 .LBB2_16-.Ltmp7, $2  }
0xaa: {  	v0 =	vsel vm0, s15, v0;
	s15 =	smov.u32 s18;
	_ =	sdelay $0x2  }
0xab: {  	s17 =	sadd.s32 $0x80, s17;
	vm0 =	vgt.f32 v5, v4;
	v3 =	vmov v5  }
0xac: {  	v4 =	vsel vm0, v3, v4;
	vm1 =	vgt.f32 v3, v2  }
0xad: {  	v4 =	vsel vm1, v2, v4;
	v58 =	vsel vm1, v3, v2  }
0xae: {  	v2 =	vsub.f32 v4, v58;
	_ =	sdelay $0x1  }
0xaf: {  	v2 =	vmul.f32 $1.442695020e+00, v2;
	_ =	sdelay $0x1  }
0xb0: {  	(erf) = vpow2.f32 v2;
	_ =	sdelay $0x8  }
0xb1: {  	v2 =	vpop (erf)  }
0xb2: {  	v59 =	vadd.f32 $1.000000000e+00, v2;
	_ =	sdelay $0x1  }
0xb3: {  	(erf) = vrcp.f32 v59;
	_ =	sdelay $0x7  }
0xb4: {  	v1 =	vsel vm0, s15, v1;
	v60 =	vsel vm1, s15, v0  }
0xb5: {  	v61 =	vsel vm1, v0, v1;
	[tilespmem:$0x2070] =	vst v60;
	v62 =	vpop (erf)  }
0xb6: {  	[tilespmem:$0x20F0] =	vst v61;
	v63 =	vmul.f32 v62, v2  }
0xb7: {  	[tilespmem:$0x2170] =	vst v62  }
0xb8: {  	[tilespmem:$0x21F0] =	vst v63  }
0xb9: {  	[hbm4b:s4+s2] =	stream.linear.scatter [tilespmem:s10], [sflag:$0x1], $0x80, $0x38;
	[tilespmem:$0x2200] =	vst v63  }
0xba: {  	_ =	swait.ge [sflag:s9], $0x80  }
0xbb: {  	[sflag:s9] =	ssyncset.done $0x0  }
0xbc: {  	[sflag:s9] =	ssyncadd.s32 $0xFFFFFF80  }
0xbd: {  	[hbm4b:s5+s2] =	stream.linear.scatter [tilespmem:s11], [sflag:$0x1], $0x80, $0x38;
	[tilespmem:$0x2200] =	vst v63  }
0xbe: {  	_ =	swait.ge [sflag:s9], $0x80  }
0xbf: {  	[sflag:s9] =	ssyncset.done $0x0  }
0xc0: {  	[sflag:s9] =	ssyncadd.s32 $0xFFFFFF80  }
0xc1: {  	[hbm4b:s6+s2] =	stream.linear.scatter [tilespmem:s12], [sflag:$0x1], $0x80, $0x38;
	[tilespmem:$0x2200] =	vst v63  }
0xc2: {  	s14 =	sadd.s32 $0x1, s14;
	_ =	swait.ge [sflag:s9], $0x80  }
0xc3: {  	p0 =	sne.s32 s14, s8;
	[sflag:s9] =	ssyncset.done $0x0  }
.Ltmp8:
0xc4: {  	[sflag:s9] =	ssyncadd.s32 $0xFFFFFF80;
	(pc) =	sbr.rel @p0 .LBB2_1-.Ltmp8, $4  }
0xc5: {  	[hbm4b:s7+s2] =	stream.linear.scatter [tilespmem:s13], [sflag:$0x1], $0x80, $0x38;
	[tilespmem:$0x2200] =	vst v63  }
0xc6: {  	_ =	swait.ge [sflag:s9], $0x80  }
0xc7: {  	[sflag:s9] =	ssyncset.done $0x0  }
0xc8: {  	[sflag:s9] =	ssyncadd.s32 $0xFFFFFF80  }
0xc9: {  	_ =	sfence.sel $0x180000  }
0xca: {  	[bflag:$0x0] =	sbarrier.arrive $0xFFFF  }
0xcb: {  	p0 =	sne.s32 s1, $0x0;
	_ =	strace $0x9000004A  }
0xcc: {  	s0 =	sadd.s32 @!p0 $0x100000, s0;
	[bflag:$0x2] =	sbarrier.arrive $0xFFFF  }
0xcd: {  	[sflag:s0] =	ssyncadd.tile.s32 @!p0 $0x1;
	_ =	shalt  }
.Lfunc_end2:
_tile_overlayer_lowered:
.L_overlay_start_2:
0xce: {  	(tag) =	ssettag $0x2  }
0xcf: {  	s0 =	rddreg [dreg:$0x0];
	s2 =	stileid.u32  }
0xd0: {  	s1 =	rddreg [dreg:$0x1];
	p0 =	sne.s32 s2, $0x0  }
0xd1: {  	s3 =	rddreg [dreg:$0x2];
	[bflag:$0x3] =	sbarrier.arrive $0xFFFF;
	s2 =	simm.s32 @!p0 $0x1C01  }
0xd2: {  	[timem:s3], [sflag:s2] =	dma.local @!p0 [hbm:s0], s1  }
0xd3: {  	s0 =	simm.s32 @!p0 $0x1  }
0xd4: {  	_ =	swait.ge @!p0 [sflag:s0], s1  }
0xd5: {  	s1 =	ssub.s32 @!p0 $0x0, s1;
	[sflag:s0] =	ssyncset.done @!p0 $0x0  }
0xd6: {  	[sflag:s0] =	ssyncadd.s32 @!p0 s1  }
0xd7: {  	[bflag:$0x3] =	sbarrier.arrive $0xFFFF  }
0xd8: {  	_ =	shalt  }

</sc_bundles>
